<compile_context>
chip_gen: v7x
topology: tpu7x:2x2x1
jax: 0.10.2.dev20260603
libtpu: 0.0.44.dev20260713+nightly
codegen_flags: <defaults>
</compile_context>

<pallas_src>
import functools

import jax
import jax.numpy as jnp
from jax import lax
from jax.experimental import pallas as pl
from jax.experimental.pallas import tpu as pltpu
from jax.experimental.pallas import tpu_sc as plsc

D = 1024
H = 1024
O = 1024
N = 2048
MG = 2
MAC = 3
MIC = 4
G = MG * MAC
ALPHA = 0.01

B = 512
NBMAX = N // B + G - 1
NPAD = N + G * B

_NC, _NS = 2, 16
_NW = _NC * _NS
_TOKS_W = N // _NW


def _router_body(x_ref, w_ref, b_ref, ptok_ref, desc_ref, aux_ref):
    x = x_ref[...]
    logits = jnp.dot(x, w_ref[...], preferred_element_type=jnp.float32)
    logits = logits + b_ref[...]
    nf = jnp.float32(N)

    lg = logits[:, 0:8]
    lane = lax.broadcasted_iota(jnp.int32, (N, 8), 1)
    segid = jnp.where(lane < MG, 0, jnp.where(lane < MG + MAC, 1, 2))
    neg = jnp.float32(-1e30)
    mxs = [jnp.max(jnp.where(segid == t, lg, neg), axis=1, keepdims=True)
           for t in range(3)]
    mxfull = jnp.where(segid == 0, mxs[0],
                       jnp.where(segid == 1, mxs[1], mxs[2]))
    ex = jnp.exp(lg - mxfull)
    sums = [jnp.sum(jnp.where(segid == t, ex, 0.0), axis=1, keepdims=True)
            for t in range(3)]
    sfull = jnp.where(segid == 0, sums[0],
                      jnp.where(segid == 1, sums[1], sums[2]))
    p = ex / sfull

    lanew = (lane - jnp.where(segid == 0, 0,
                              jnp.where(segid == 1, MG, MG + MAC))
             ).astype(jnp.float32)
    big = jnp.float32(1e9)
    ams = [jnp.min(jnp.where((segid == t) & (lg == mxfull), lanew, big),
                   axis=1, keepdims=True) for t in range(3)]
    topi = ams[0].astype(jnp.int32)
    ids = topi * MAC + jnp.where(topi == 1, ams[2], ams[1]).astype(jnp.int32)

    maskfull = jnp.where(segid == 0, 1.0,
                         jnp.where(segid == 1, (topi == 0).astype(jnp.float32),
                                   (topi == 1).astype(jnp.float32)))
    colsum = jnp.sum(p * maskfull, axis=0, keepdims=True)

    lane = lax.broadcasted_iota(jnp.int32, (N, 8), 1)
    oh = (ids == lane).astype(jnp.float32)
    s = oh
    k = 1
    while k < N:
        s = s + jnp.concatenate([jnp.zeros((k, 8), jnp.float32), s[:N - k]],
                                axis=0)
        k *= 2
    counts = s[N - 1:N, :]
    ranks = jnp.sum(oh * (s - 1.0), axis=1, keepdims=True)
    nbf = jnp.ceil(counts * (1.0 / B))
    acap = nbf * B
    ac = acap
    cumnb = nbf
    for kk in (1, 2, 4):
        zz = jnp.zeros((1, kk), jnp.float32)
        ac = ac + jnp.concatenate([zz, ac[:, :8 - kk]], axis=1)
        cumnb = cumnb + jnp.concatenate([zz, cumnb[:, :8 - kk]], axis=1)
    astart = ac - acap
    base = jnp.sum(oh * astart, axis=1, keepdims=True)
    ptok_ref[...] = (base + ranks).astype(jnp.int32)

    lane8 = lax.broadcasted_iota(jnp.int32, (1, 8), 1)

    cnt0 = jnp.sum(jnp.where(lane8 < MAC, counts, 0.0))
    cnt1 = jnp.sum(jnp.where((lane8 >= MAC) & (lane8 < 2 * MAC), counts, 0.0))
    d0 = jnp.maximum(cnt0, 1.0)
    d1 = jnp.maximum(cnt1, 1.0)
    sc_meta = ALPHA * MG / (nf * nf)
    sc0 = jnp.where(cnt0 > 0.0, ALPHA * MAC / (d0 * d0), 0.0)
    sc1 = jnp.where(cnt1 > 0.0, ALPHA * MAC / (d1 * d1), 0.0)
    scale = jnp.where(lane8 < MG, sc_meta,
                      jnp.where(lane8 < MG + MAC, sc0, sc1))
    aux = jnp.sum(colsum * colsum * scale)

    cum_c = [jnp.sum(jnp.where(lane8 == c, cumnb, 0.0)) for c in range(G)]
    exc_c = [jnp.sum(jnp.where(lane8 == c, cumnb - nbf, 0.0)) for c in range(G)]
    ast_c = [jnp.sum(jnp.where(lane8 == c, astart, 0.0)) * (1.0 / B)
             for c in range(G)]
    total_nb = jnp.sum(nbf)
    jlane = lax.broadcasted_iota(jnp.int32, (1, 16), 1).astype(jnp.float32)
    jc = jnp.minimum(jlane, total_nb - 1.0)
    gid = jnp.zeros((1, 16), jnp.float32)
    for c in range(G):
        gid = gid + jnp.where(jc >= cum_c[c], 1.0, 0.0)
    kj = jc
    rowj = jnp.zeros((1, 16), jnp.float32)
    for c in range(G):
        sel = (gid == c)
        kj = kj - jnp.where(sel, exc_c[c], 0.0)
        rowj = rowj + jnp.where(sel, ast_c[c], 0.0)
    desc_ref[...] = jnp.concatenate(
        [gid, rowj + kj, jnp.where(jlane < total_nb, 1.0, 0.0)],
        axis=0).astype(jnp.int32)
    aux_ref[...] = jnp.full((8, 128), aux, jnp.float32)


def _router(x, wcat, bcat):
    return pl.pallas_call(
        _router_body,
        out_shape=[
            jax.ShapeDtypeStruct((N, 1), jnp.int32),
            jax.ShapeDtypeStruct((3, 16), jnp.int32),
            jax.ShapeDtypeStruct((8, 128), jnp.float32),
        ],
    )(x, wcat, bcat)


@functools.lru_cache(maxsize=1)
def _sc_gathers():
    mesh = plsc.VectorSubcoreMesh(core_axis_name="c", subcore_axis_name="s",
                                  num_cores=_NC, num_subcores=_NS)

    @functools.partial(
        pl.kernel,
        out_type=jax.ShapeDtypeStruct((NPAD, D), jnp.float32),
        mesh=mesh,
        scratch_types=[
            pltpu.VMEM((_TOKS_W,), jnp.int32),
            pltpu.VMEM((_TOKS_W, D), jnp.float32),
            pltpu.SemaphoreType.DMA,
        ],
    )
    def scatter_in(x_hbm, idx_hbm, out_hbm, idx_v, rows_v, sem):
        wid = lax.axis_index("s") * _NC + lax.axis_index("c")
        base = wid * _TOKS_W
        pltpu.sync_copy(idx_hbm.at[pl.ds(base, _TOKS_W)], idx_v)
        pltpu.sync_copy(x_hbm.at[pl.ds(base, _TOKS_W)], rows_v)
        pltpu.async_copy(rows_v, out_hbm.at[idx_v], sem).wait()

    @functools.partial(
        pl.kernel,
        out_type=jax.ShapeDtypeStruct((N, O), jnp.float32),
        mesh=mesh,
        scratch_types=[
            pltpu.VMEM((_TOKS_W,), jnp.int32),
            pltpu.VMEM((_TOKS_W, O), jnp.float32),
            pltpu.SemaphoreType.DMA,
        ],
    )
    def gather_out(tab_hbm, idx_hbm, out_hbm, idx_v, rows_v, sem):
        wid = lax.axis_index("s") * _NC + lax.axis_index("c")
        base = wid * _TOKS_W
        pltpu.sync_copy(idx_hbm.at[pl.ds(base, _TOKS_W)], idx_v)
        pltpu.async_copy(tab_hbm.at[idx_v], rows_v, sem).wait()
        pltpu.sync_copy(rows_v, out_hbm.at[pl.ds(base, _TOKS_W)])

    return scatter_in, gather_out


def _ffn_body(g_ref, r_ref, v_ref, xs_ref, w1_ref, b1_ref, w2_ref, b2_ref,
              w3_ref, b3_ref, out_ref):
    i = pl.program_id(0)
    e = pl.program_id(1)
    valid = v_ref[i] == 1

    @pl.when(valid)
    def _():
        xb = xs_ref[...]
        h = jnp.dot(xb, w1_ref[0, 0], preferred_element_type=jnp.float32)
        h = jnp.maximum(h + b1_ref[0, 0], 0.0)
        h2 = jnp.dot(h, w2_ref[0, 0], preferred_element_type=jnp.float32)
        h2 = jnp.maximum(h2 + b2_ref[0, 0] + xb, 0.0)
        oe = jnp.dot(h2, w3_ref[0, 0], preferred_element_type=jnp.float32)
        oe = (oe + b3_ref[0, 0]) * (1.0 / MIC)

        @pl.when(e == 0)
        def _():
            out_ref[...] = oe

        @pl.when(e > 0)
        def _():
            out_ref[...] += oe


def _ffn(blk_gid, blk_row, blk_val, xs_pad, fc1_W, b1r, fc2_W, b2r, fc3_W, b3r):
    def _e_eff(e, v, i):
        return jnp.where(v[i] == 1, e, MIC - 1)

    grid_spec = pltpu.PrefetchScalarGridSpec(
        num_scalar_prefetch=3,
        grid=(NBMAX, MIC),
        in_specs=[
            pl.BlockSpec((B, D), lambda i, e, g, r, v: (r[i], 0)),
            pl.BlockSpec((1, 1, D, H),
                         lambda i, e, g, r, v: (g[i], _e_eff(e, v, i), 0, 0)),
            pl.BlockSpec((1, 1, H),
                         lambda i, e, g, r, v: (g[i] * MIC + _e_eff(e, v, i), 0, 0)),
            pl.BlockSpec((1, 1, H, H),
                         lambda i, e, g, r, v: (g[i], _e_eff(e, v, i), 0, 0)),
            pl.BlockSpec((1, 1, H),
                         lambda i, e, g, r, v: (g[i] * MIC + _e_eff(e, v, i), 0, 0)),
            pl.BlockSpec((1, 1, H, O),
                         lambda i, e, g, r, v: (g[i], _e_eff(e, v, i), 0, 0)),
            pl.BlockSpec((1, 1, O),
                         lambda i, e, g, r, v: (g[i] * MIC + _e_eff(e, v, i), 0, 0)),
        ],
        out_specs=pl.BlockSpec((B, O), lambda i, e, g, r, v: (r[i], 0)),
    )
    return pl.pallas_call(
        _ffn_body,
        grid_spec=grid_spec,
        out_shape=jax.ShapeDtypeStruct((NPAD, O), jnp.float32),
        compiler_params=pltpu.CompilerParams(
            dimension_semantics=("arbitrary", "arbitrary")),
    )(blk_gid, blk_row, blk_val, xs_pad, fc1_W, b1r, fc2_W, b2r, fc3_W, b3r)


def kernel(x, meta_W, meta_b, macro_W, macro_b,
           fc1_W, fc1_b, fc2_W, fc2_b, fc3_W, fc3_b):
    wcat = jnp.concatenate(
        [meta_W, macro_W[0], macro_W[1],
         jnp.zeros((D, 128 - MG - MG * MAC), jnp.float32)], axis=1)
    bcat = jnp.concatenate(
        [meta_b, macro_b[0], macro_b[1],
         jnp.zeros((128 - MG - MG * MAC,), jnp.float32)])[None, :]

    ptok2d, desc, aux2d = _router(x, wcat, bcat)
    p_tok = ptok2d[:, 0]
    aux = aux2d[0, 0]
    blk_gid = desc[0, :NBMAX]
    blk_row = desc[1, :NBMAX]
    blk_val = desc[2, :NBMAX]

    scatter_in, gather_out = _sc_gathers()
    xs_pad = scatter_in(x, p_tok)

    b1r = fc1_b.reshape(G * MIC, 1, H)
    b2r = fc2_b.reshape(G * MIC, 1, H)
    b3r = fc3_b.reshape(G * MIC, 1, O)
    out_pad = _ffn(blk_gid, blk_row, blk_val, xs_pad,
                   fc1_W, b1r, fc2_W, b2r, fc3_W, b3r)

    final = gather_out(out_pad, p_tok)
    return final, aux

# --- scband reference (transcript-rebuilt; emitter-appended) ---
"""Pipeline reference for scband-hagmo-e-32684701123013 (READ-ONLY COPY).

The authoritative reference and input builder live on the scoring server;
editing this copy changes nothing except your own understanding.
"""

import jax, jax.numpy as jnp
import numpy as np

D = 1024; H = 1024; O = 1024; N = 2048
MG = 2; MAC = 3; MIC = 4; ALPHA = 0.01


def _lb(logits):
    p = jax.nn.softmax(logits, axis=1)
    f = p.mean(0)
    return ALPHA * logits.shape[1] * jnp.sum(f * f)


def setup_inputs(seed: int = 0) -> dict:
    key = jax.random.key(seed)
    ks = jax.random.split(key, 8)
    G = MG * MAC
    return {
        "x": jax.random.normal(ks[0], (N, D), jnp.float32),
        "meta_W": 0.02 * jax.random.normal(ks[1], (D, MG), jnp.float32),
        "meta_b": jnp.zeros((MG,), jnp.float32),
        "macro_W": 0.02 * jax.random.normal(ks[2], (MG, D, MAC), jnp.float32),
        "macro_b": jnp.zeros((MG, MAC), jnp.float32),
        "fc1_W": 0.02 * jax.random.normal(ks[3], (G, MIC, D, H), jnp.float32),
        "fc1_b": jnp.zeros((G, MIC, H), jnp.float32),
        "fc2_W": 0.02 * jax.random.normal(ks[4], (G, MIC, H, H), jnp.float32),
        "fc2_b": jnp.zeros((G, MIC, H), jnp.float32),
        "fc3_W": 0.02 * jax.random.normal(ks[5], (G, MIC, H, O), jnp.float32),
        "fc3_b": jnp.zeros((G, MIC, O), jnp.float32),
    }


def _expert_group(t, gidx, fc1_W, fc1_b, fc2_W, fc2_b, fc3_W, fc3_b):
    # Expert residual block; input_dim == hidden_dim so projection is None;
    # dropout is identity in eval mode.
    outs = []
    for e in range(MIC):
        h = jax.nn.relu(t @ fc1_W[gidx, e] + fc1_b[gidx, e])
        h2 = (h @ fc2_W[gidx, e] + fc2_b[gidx, e]) + t
        h2 = jax.nn.relu(h2)
        outs.append(h2 @ fc3_W[gidx, e] + fc3_b[gidx, e])
    stacked = jnp.stack(outs, axis=1)
    return jnp.mean(stacked, axis=1)


def reference(x, meta_W, meta_b, macro_W, macro_b, fc1_W, fc1_b, fc2_W, fc2_b, fc3_W, fc3_b):
    final = jnp.zeros((x.shape[0], fc3_W.shape[-1]), x.dtype)
    meta_logits = x @ meta_W + meta_b
    aux = _lb(meta_logits)
    top_meta = jnp.argmax(meta_logits, axis=1)  # topk(k=1) == argmax
    for g in range(MG):
        mask_g = top_meta == g
        cnt_g = jnp.sum(mask_g)
        macro_logits = x @ macro_W[g] + macro_b[g]
        p = jax.nn.softmax(macro_logits, axis=1)
        f = jnp.sum(p * mask_g[:, None], axis=0) / jnp.maximum(cnt_g, 1).astype(p.dtype)
        lb_g = ALPHA * macro_logits.shape[1] * jnp.sum(f * f)
        aux = aux + jnp.where(cnt_g > 0, lb_g, jnp.zeros_like(lb_g))
        top_macro = jnp.argmax(macro_logits, axis=1)
        for m in range(MAC):
            mask_gm = mask_g & (top_macro == m)
            mo = _expert_group(x, g * MAC + m, fc1_W, fc1_b, fc2_W, fc2_b, fc3_W, fc3_b)
            final = jnp.where(mask_gm[:, None], mo, final)
    return final, aux

if __name__ == "__main__":
    import jax
    _d = setup_inputs()
    print(jax.jit(kernel)(*tuple(_d.values())))

</pallas_src>

<mosaic_0001>
#map = affine_map<(d0, d1) -> (0, 0)>
#map1 = affine_map<(d0, d1) -> (0)>
module attributes {stable_mosaic.version = 14 : i64} {
  func.func @scatter_in(%arg0: i32, %arg1: i32, %arg2: memref<2048x1024xf32, #tpu.memory_space<hbm>>, %arg3: memref<2048xi32, #tpu.memory_space<hbm>>, %arg4: memref<5120x1024xf32, #tpu.memory_space<hbm>>, %arg5: memref<64xi32, #tpu.memory_space<vmem>>, %arg6: memref<64x1024xf32, #tpu.memory_space<vmem>>, %arg7: memref<!tpu.dma_semaphore, #tpu.memory_space<semaphore_mem>>) attributes {dimension_semantics = [#tpu.dimension_semantics<core_parallel>, #tpu.dimension_semantics<subcore_parallel>], iteration_bounds = array<i64: 2, 16>, scalar_prefetch = 0 : i64, scratch_operands = 3 : i64, tpu.core_type = #tpu.core_type<sc_vector_subcore>, window_params = [{transform_indices = #map}, {transform_indices = #map1}, {transform_indices = #map}]} {
    %mul3A = arith.constant 2 : i32
    %mul3A_0 = arith.muli %arg1, %mul3A : i32
    %add3A = arith.addi %mul3A_0, %arg0 : i32
    %mul3A_1 = arith.constant 64 : i32
    %mul3A_2 = arith.muli %add3A, %mul3A_1 : i32
    "tpu.region"() ({
      %run_scoped3A = tpu.sem_alloc : memref<!tpu.dma_semaphore, #tpu.memory_space<semaphore_mem>>
      %dma_start3A_7 = tpu.memref_slice %arg3[%mul3A_2] : memref<2048xi32, #tpu.memory_space<hbm>> -> memref<64xi32, #tpu.memory_space<hbm>>
      %dma_start3A_8 = tpu.memref_slice %arg3[%mul3A_2] : memref<2048xi32, #tpu.memory_space<hbm>> -> memref<64xi32, #tpu.memory_space<hbm>>
      tpu.enqueue_dma source(%dma_start3A_8 : memref<64xi32, #tpu.memory_space<hbm>>) target(%arg5 : memref<64xi32, #tpu.memory_space<vmem>>) target_semaphore(%run_scoped3A : memref<!tpu.dma_semaphore, #tpu.memory_space<semaphore_mem>>)
      %dma_wait3A_9 = tpu.memref_slice %arg3[%mul3A_2] : memref<2048xi32, #tpu.memory_space<hbm>> -> memref<64xi32, #tpu.memory_space<hbm>>
      %dma_wait3A_10 = tpu.memref_slice %arg3[%mul3A_2] : memref<2048xi32, #tpu.memory_space<hbm>> -> memref<64xi32, #tpu.memory_space<hbm>>
      tpu.wait_dma2 semaphore(%run_scoped3A : memref<!tpu.dma_semaphore, #tpu.memory_space<semaphore_mem>>) src(%dma_wait3A_10 : memref<64xi32, #tpu.memory_space<hbm>>) dst(%arg5 : memref<64xi32, #tpu.memory_space<vmem>>)
      tpu.yield
    }) : () -> ()
    "tpu.region"() ({
      %run_scoped3A = tpu.sem_alloc : memref<!tpu.dma_semaphore, #tpu.memory_space<semaphore_mem>>
      %dma_start3A_7 = arith.constant 0 : i32
      %dma_start3A_8 = tpu.memref_slice %arg2[%mul3A_2, %dma_start3A_7] : memref<2048x1024xf32, #tpu.memory_space<hbm>> -> memref<64x1024xf32, #tpu.memory_space<hbm>>
      %dma_start3A_9 = arith.constant 0 : i32
      %dma_start3A_10 = tpu.memref_slice %arg2[%mul3A_2, %dma_start3A_9] : memref<2048x1024xf32, #tpu.memory_space<hbm>> -> memref<64x1024xf32, #tpu.memory_space<hbm>>
      tpu.enqueue_dma source(%dma_start3A_10 : memref<64x1024xf32, #tpu.memory_space<hbm>>) target(%arg6 : memref<64x1024xf32, #tpu.memory_space<vmem>>) target_semaphore(%run_scoped3A : memref<!tpu.dma_semaphore, #tpu.memory_space<semaphore_mem>>)
      %dma_wait3A_11 = arith.constant 0 : i32
      %dma_wait3A_12 = tpu.memref_slice %arg2[%mul3A_2, %dma_wait3A_11] : memref<2048x1024xf32, #tpu.memory_space<hbm>> -> memref<64x1024xf32, #tpu.memory_space<hbm>>
      %dma_wait3A_13 = arith.constant 0 : i32
      %dma_wait3A_14 = tpu.memref_slice %arg2[%mul3A_2, %dma_wait3A_13] : memref<2048x1024xf32, #tpu.memory_space<hbm>> -> memref<64x1024xf32, #tpu.memory_space<hbm>>
      tpu.wait_dma2 semaphore(%run_scoped3A : memref<!tpu.dma_semaphore, #tpu.memory_space<semaphore_mem>>) src(%dma_wait3A_14 : memref<64x1024xf32, #tpu.memory_space<hbm>>) dst(%arg6 : memref<64x1024xf32, #tpu.memory_space<vmem>>)
      tpu.yield
    }) : () -> ()
    %dma_start3A = arith.constant 0 : i32
    %dma_start3A_3 = arith.constant 0 : i32
    %dma_start3A_4 = tpu.memref_slice %arg4[%dma_start3A, %dma_start3A_3] : memref<5120x1024xf32, #tpu.memory_space<hbm>> -> memref<5120x1024xf32, #tpu.memory_space<hbm>>
    tpu.enqueue_indirect_dma source(%arg6 : memref<64x1024xf32, #tpu.memory_space<vmem>>) target(%dma_start3A_4 : memref<5120x1024xf32, #tpu.memory_space<hbm>>) offsets(%arg5 : memref<64xi32, #tpu.memory_space<vmem>>) semaphore(%arg7 : memref<!tpu.dma_semaphore, #tpu.memory_space<semaphore_mem>>)
    %dma_wait3A = arith.constant 0 : i32
    %dma_wait3A_5 = arith.constant 0 : i32
    %dma_wait3A_6 = tpu.memref_slice %arg4[%dma_wait3A, %dma_wait3A_5] : memref<5120x1024xf32, #tpu.memory_space<hbm>> -> memref<5120x1024xf32, #tpu.memory_space<hbm>>
    tpu.wait_indirect_dma semaphore(%arg7 : memref<!tpu.dma_semaphore, #tpu.memory_space<semaphore_mem>>) src(%arg6 : memref<64x1024xf32, #tpu.memory_space<vmem>>) dst(%dma_wait3A_6 : memref<5120x1024xf32, #tpu.memory_space<hbm>>)
    return
  }
}

#map = affine_map<(d0, d1) -> (0, 0)>
#map1 = affine_map<(d0, d1) -> (0)>
module attributes {stable_mosaic.version = 14 : i64} {
  func.func @gather_out(%arg0: i32, %arg1: i32, %arg2: memref<5120x1024xf32, #tpu.memory_space<hbm>>, %arg3: memref<2048xi32, #tpu.memory_space<hbm>>, %arg4: memref<2048x1024xf32, #tpu.memory_space<hbm>>, %arg5: memref<64xi32, #tpu.memory_space<vmem>>, %arg6: memref<64x1024xf32, #tpu.memory_space<vmem>>, %arg7: memref<!tpu.dma_semaphore, #tpu.memory_space<semaphore_mem>>) attributes {dimension_semantics = [#tpu.dimension_semantics<core_parallel>, #tpu.dimension_semantics<subcore_parallel>], iteration_bounds = array<i64: 2, 16>, scalar_prefetch = 0 : i64, scratch_operands = 3 : i64, tpu.core_type = #tpu.core_type<sc_vector_subcore>, window_params = [{transform_indices = #map}, {transform_indices = #map1}, {transform_indices = #map}]} {
    %mul3A = arith.constant 2 : i32
    %mul3A_0 = arith.muli %arg1, %mul3A : i32
    %add3A = arith.addi %mul3A_0, %arg0 : i32
    %mul3A_1 = arith.constant 64 : i32
    %mul3A_2 = arith.muli %add3A, %mul3A_1 : i32
    "tpu.region"() ({
      %run_scoped3A = tpu.sem_alloc : memref<!tpu.dma_semaphore, #tpu.memory_space<semaphore_mem>>
      %dma_start3A_7 = tpu.memref_slice %arg3[%mul3A_2] : memref<2048xi32, #tpu.memory_space<hbm>> -> memref<64xi32, #tpu.memory_space<hbm>>
      %dma_start3A_8 = tpu.memref_slice %arg3[%mul3A_2] : memref<2048xi32, #tpu.memory_space<hbm>> -> memref<64xi32, #tpu.memory_space<hbm>>
      tpu.enqueue_dma source(%dma_start3A_8 : memref<64xi32, #tpu.memory_space<hbm>>) target(%arg5 : memref<64xi32, #tpu.memory_space<vmem>>) target_semaphore(%run_scoped3A : memref<!tpu.dma_semaphore, #tpu.memory_space<semaphore_mem>>)
      %dma_wait3A_9 = tpu.memref_slice %arg3[%mul3A_2] : memref<2048xi32, #tpu.memory_space<hbm>> -> memref<64xi32, #tpu.memory_space<hbm>>
      %dma_wait3A_10 = tpu.memref_slice %arg3[%mul3A_2] : memref<2048xi32, #tpu.memory_space<hbm>> -> memref<64xi32, #tpu.memory_space<hbm>>
      tpu.wait_dma2 semaphore(%run_scoped3A : memref<!tpu.dma_semaphore, #tpu.memory_space<semaphore_mem>>) src(%dma_wait3A_10 : memref<64xi32, #tpu.memory_space<hbm>>) dst(%arg5 : memref<64xi32, #tpu.memory_space<vmem>>)
      tpu.yield
    }) : () -> ()
    %dma_start3A = arith.constant 0 : i32
    %dma_start3A_3 = arith.constant 0 : i32
    %dma_start3A_4 = tpu.memref_slice %arg2[%dma_start3A, %dma_start3A_3] : memref<5120x1024xf32, #tpu.memory_space<hbm>> -> memref<5120x1024xf32, #tpu.memory_space<hbm>>
    tpu.enqueue_indirect_dma source(%dma_start3A_4 : memref<5120x1024xf32, #tpu.memory_space<hbm>>) target(%arg6 : memref<64x1024xf32, #tpu.memory_space<vmem>>) offsets(%arg5 : memref<64xi32, #tpu.memory_space<vmem>>) semaphore(%arg7 : memref<!tpu.dma_semaphore, #tpu.memory_space<semaphore_mem>>)
    %dma_wait3A = arith.constant 0 : i32
    %dma_wait3A_5 = arith.constant 0 : i32
    %dma_wait3A_6 = tpu.memref_slice %arg2[%dma_wait3A, %dma_wait3A_5] : memref<5120x1024xf32, #tpu.memory_space<hbm>> -> memref<5120x1024xf32, #tpu.memory_space<hbm>>
    tpu.wait_indirect_dma semaphore(%arg7 : memref<!tpu.dma_semaphore, #tpu.memory_space<semaphore_mem>>) src(%dma_wait3A_6 : memref<5120x1024xf32, #tpu.memory_space<hbm>>) dst(%arg6 : memref<64x1024xf32, #tpu.memory_space<vmem>>)
    "tpu.region"() ({
      %run_scoped3A = tpu.sem_alloc : memref<!tpu.dma_semaphore, #tpu.memory_space<semaphore_mem>>
      %dma_start3A_7 = arith.constant 0 : i32
      %dma_start3A_8 = tpu.memref_slice %arg4[%mul3A_2, %dma_start3A_7] : memref<2048x1024xf32, #tpu.memory_space<hbm>> -> memref<64x1024xf32, #tpu.memory_space<hbm>>
      %dma_start3A_9 = arith.constant 0 : i32
      %dma_start3A_10 = tpu.memref_slice %arg4[%mul3A_2, %dma_start3A_9] : memref<2048x1024xf32, #tpu.memory_space<hbm>> -> memref<64x1024xf32, #tpu.memory_space<hbm>>
      tpu.enqueue_dma source(%arg6 : memref<64x1024xf32, #tpu.memory_space<vmem>>) target(%dma_start3A_10 : memref<64x1024xf32, #tpu.memory_space<hbm>>) target_semaphore(%run_scoped3A : memref<!tpu.dma_semaphore, #tpu.memory_space<semaphore_mem>>)
      %dma_wait3A_11 = arith.constant 0 : i32
      %dma_wait3A_12 = tpu.memref_slice %arg4[%mul3A_2, %dma_wait3A_11] : memref<2048x1024xf32, #tpu.memory_space<hbm>> -> memref<64x1024xf32, #tpu.memory_space<hbm>>
      %dma_wait3A_13 = arith.constant 0 : i32
      %dma_wait3A_14 = tpu.memref_slice %arg4[%mul3A_2, %dma_wait3A_13] : memref<2048x1024xf32, #tpu.memory_space<hbm>> -> memref<64x1024xf32, #tpu.memory_space<hbm>>
      tpu.wait_dma2 semaphore(%run_scoped3A : memref<!tpu.dma_semaphore, #tpu.memory_space<semaphore_mem>>) src(%arg6 : memref<64x1024xf32, #tpu.memory_space<vmem>>) dst(%dma_wait3A_14 : memref<64x1024xf32, #tpu.memory_space<hbm>>)
      tpu.yield
    }) : () -> ()
    return
  }
}

module attributes {stable_mosaic.version = 14 : i64} {
  func.func @_router_body(%arg0: memref<2048x1024xf32, #tpu.memory_space<vmem>>, %arg1: memref<1024x128xf32, #tpu.memory_space<vmem>>, %arg2: memref<1x128xf32, #tpu.memory_space<vmem>>, %arg3: memref<2048x1xi32, #tpu.memory_space<vmem>>, %arg4: memref<3x16xi32, #tpu.memory_space<vmem>>, %arg5: memref<8x128xf32, #tpu.memory_space<vmem>>) attributes {dimension_semantics = [], scalar_prefetch = 0 : i64, scratch_operands = 0 : i64, tpu.core_type = #tpu.core_type<tc>} {
    %get3A = arith.constant 0 : index
    %get3A_0 = arith.constant 0 : index
    %get3A_1 = vector.load %arg0[%get3A, %get3A_0] : memref<2048x1024xf32, #tpu.memory_space<vmem>>, vector<2048x1024xf32>
    %get3A_2 = arith.constant 0 : index
    %get3A_3 = arith.constant 0 : index
    %get3A_4 = vector.load %arg1[%get3A_2, %get3A_3] : memref<1024x128xf32, #tpu.memory_space<vmem>>, vector<1024x128xf32>
    %dot_general3A = arith.constant dense<0.000000e+00> : vector<2048x128xf32>
    %dot_general3A_5 = tpu.matmul %get3A_1, %get3A_4, %dot_general3A {dimension_numbers = #tpu.dot_dimension_numbers<[1], [0], [0], [1], [0, 0, 1, 1], [], []>, transpose_lhs_hint = false} : vector<2048x1024xf32>, vector<1024x128xf32>, vector<2048x128xf32> -> vector<2048x128xf32>
    %get3A_6 = arith.constant 0 : index
    %get3A_7 = arith.constant 0 : index
    %get3A_8 = vector.load %arg2[%get3A_6, %get3A_7] : memref<1x128xf32, #tpu.memory_space<vmem>>, vector<1x128xf32>
    %add3A = vector.broadcast %get3A_8 : vector<1x128xf32> to vector<2048x128xf32>
    %add3A_9 = arith.addf %dot_general3A_5, %add3A : vector<2048x128xf32>
    %slice3A = vector.extract_strided_slice %add3A_9 {offsets = [0, 0], sizes = [2048, 8], strides = [1, 1]} : vector<2048x128xf32> to vector<2048x8xf32>
    %iota3A = tpu.iota {dimensions = array<i32: 1>} : vector<2048x8xi32>
    %lt3A = arith.constant 2 : i32
    %lt3A_10 = vector.broadcast %lt3A : i32 to vector<2048x8xi32>
    %lt3A_11 = arith.cmpi slt, %iota3A, %lt3A_10 : vector<2048x8xi32>
    %lt3A_12 = arith.constant 5 : i32
    %lt3A_13 = vector.broadcast %lt3A_12 : i32 to vector<2048x8xi32>
    %lt3A_14 = arith.cmpi slt, %iota3A, %lt3A_13 : vector<2048x8xi32>
    %jit3A = arith.constant 1 : i32
    %jit3A_15 = arith.constant 2 : i32
    %broadcast_in_dim3A = vector.broadcast %jit3A : i32 to vector<2048x8xi32>
    %broadcast_in_dim3A_16 = vector.broadcast %jit3A_15 : i32 to vector<2048x8xi32>
    %select_n3A = arith.select %lt3A_14, %broadcast_in_dim3A, %broadcast_in_dim3A_16 : vector<2048x8xi1>, vector<2048x8xi32>
    %jit3A_17 = arith.constant 0 : i32
    %broadcast_in_dim3A_18 = vector.broadcast %jit3A_17 : i32 to vector<2048x8xi32>
    %select_n3A_19 = arith.select %lt3A_11, %broadcast_in_dim3A_18, %select_n3A : vector<2048x8xi1>, vector<2048x8xi32>
    %eq3A = arith.constant 0 : i32
    %eq3A_20 = vector.broadcast %eq3A : i32 to vector<2048x8xi32>
    %eq3A_21 = arith.cmpi eq, %select_n3A_19, %eq3A_20 : vector<2048x8xi32>
    %jit3A_22 = arith.constant -1.000000e+30 : f32
    %broadcast_in_dim3A_23 = vector.broadcast %jit3A_22 : f32 to vector<2048x8xf32>
    %select_n3A_24 = arith.select %eq3A_21, %slice3A, %broadcast_in_dim3A_23 : vector<2048x8xi1>, vector<2048x8xf32>
    %reduce_max3A = arith.constant dense<0xFF800000> : vector<2048xf32>
    %reduce_max3A_25 = vector.multi_reduction <maximumf>, %select_n3A_24, %reduce_max3A [1] : vector<2048x8xf32> to vector<2048xf32>
    %broadcast_in_dim3A_26 = vector.shape_cast %reduce_max3A_25 : vector<2048xf32> to vector<2048x1xf32>
    %eq3A_27 = arith.constant 1 : i32
    %eq3A_28 = vector.broadcast %eq3A_27 : i32 to vector<2048x8xi32>
    %eq3A_29 = arith.cmpi eq, %select_n3A_19, %eq3A_28 : vector<2048x8xi32>
    %jit3A_30 = arith.constant -1.000000e+30 : f32
    %broadcast_in_dim3A_31 = vector.broadcast %jit3A_30 : f32 to vector<2048x8xf32>
    %select_n3A_32 = arith.select %eq3A_29, %slice3A, %broadcast_in_dim3A_31 : vector<2048x8xi1>, vector<2048x8xf32>
    %reduce_max3A_33 = arith.constant dense<0xFF800000> : vector<2048xf32>
    %reduce_max3A_34 = vector.multi_reduction <maximumf>, %select_n3A_32, %reduce_max3A_33 [1] : vector<2048x8xf32> to vector<2048xf32>
    %broadcast_in_dim3A_35 = vector.shape_cast %reduce_max3A_34 : vector<2048xf32> to vector<2048x1xf32>
    %eq3A_36 = arith.constant 2 : i32
    %eq3A_37 = vector.broadcast %eq3A_36 : i32 to vector<2048x8xi32>
    %eq3A_38 = arith.cmpi eq, %select_n3A_19, %eq3A_37 : vector<2048x8xi32>
    %jit3A_39 = arith.constant -1.000000e+30 : f32
    %broadcast_in_dim3A_40 = vector.broadcast %jit3A_39 : f32 to vector<2048x8xf32>
    %select_n3A_41 = arith.select %eq3A_38, %slice3A, %broadcast_in_dim3A_40 : vector<2048x8xi1>, vector<2048x8xf32>
    %reduce_max3A_42 = arith.constant dense<0xFF800000> : vector<2048xf32>
    %reduce_max3A_43 = vector.multi_reduction <maximumf>, %select_n3A_41, %reduce_max3A_42 [1] : vector<2048x8xf32> to vector<2048xf32>
    %broadcast_in_dim3A_44 = vector.shape_cast %reduce_max3A_43 : vector<2048xf32> to vector<2048x1xf32>
    %eq3A_45 = arith.constant 0 : i32
    %eq3A_46 = vector.broadcast %eq3A_45 : i32 to vector<2048x8xi32>
    %eq3A_47 = arith.cmpi eq, %select_n3A_19, %eq3A_46 : vector<2048x8xi32>
    %eq3A_48 = arith.constant 1 : i32
    %eq3A_49 = vector.broadcast %eq3A_48 : i32 to vector<2048x8xi32>
    %eq3A_50 = arith.cmpi eq, %select_n3A_19, %eq3A_49 : vector<2048x8xi32>
    %broadcast_in_dim3A_51 = vector.shape_cast %broadcast_in_dim3A_35 : vector<2048x1xf32> to vector<2048x1xf32>
    %broadcast_in_dim3A_52 = vector.broadcast %broadcast_in_dim3A_51 : vector<2048x1xf32> to vector<2048x8xf32>
    %broadcast_in_dim3A_53 = vector.shape_cast %broadcast_in_dim3A_44 : vector<2048x1xf32> to vector<2048x1xf32>
    %broadcast_in_dim3A_54 = vector.broadcast %broadcast_in_dim3A_53 : vector<2048x1xf32> to vector<2048x8xf32>
    %select_n3A_55 = arith.select %eq3A_50, %broadcast_in_dim3A_52, %broadcast_in_dim3A_54 : vector<2048x8xi1>, vector<2048x8xf32>
    %broadcast_in_dim3A_56 = vector.shape_cast %broadcast_in_dim3A_26 : vector<2048x1xf32> to vector<2048x1xf32>
    %broadcast_in_dim3A_57 = vector.broadcast %broadcast_in_dim3A_56 : vector<2048x1xf32> to vector<2048x8xf32>
    %select_n3A_58 = arith.select %eq3A_47, %broadcast_in_dim3A_57, %select_n3A_55 : vector<2048x8xi1>, vector<2048x8xf32>
    %sub3A = arith.subf %slice3A, %select_n3A_58 : vector<2048x8xf32>
    %exp3A = math.exp %sub3A : vector<2048x8xf32>
    %eq3A_59 = arith.constant 0 : i32
    %eq3A_60 = vector.broadcast %eq3A_59 : i32 to vector<2048x8xi32>
    %eq3A_61 = arith.cmpi eq, %select_n3A_19, %eq3A_60 : vector<2048x8xi32>
    %jit3A_62 = arith.constant 0.000000e+00 : f32
    %broadcast_in_dim3A_63 = vector.broadcast %jit3A_62 : f32 to vector<2048x8xf32>
    %select_n3A_64 = arith.select %eq3A_61, %exp3A, %broadcast_in_dim3A_63 : vector<2048x8xi1>, vector<2048x8xf32>
    %reduce_sum3A = arith.constant dense<0.000000e+00> : vector<2048xf32>
    %reduce_sum3A_65 = vector.multi_reduction <add>, %select_n3A_64, %reduce_sum3A [1] : vector<2048x8xf32> to vector<2048xf32>
    %broadcast_in_dim3A_66 = vector.shape_cast %reduce_sum3A_65 : vector<2048xf32> to vector<2048x1xf32>
    %eq3A_67 = arith.constant 1 : i32
    %eq3A_68 = vector.broadcast %eq3A_67 : i32 to vector<2048x8xi32>
    %eq3A_69 = arith.cmpi eq, %select_n3A_19, %eq3A_68 : vector<2048x8xi32>
    %jit3A_70 = arith.constant 0.000000e+00 : f32
    %broadcast_in_dim3A_71 = vector.broadcast %jit3A_70 : f32 to vector<2048x8xf32>
    %select_n3A_72 = arith.select %eq3A_69, %exp3A, %broadcast_in_dim3A_71 : vector<2048x8xi1>, vector<2048x8xf32>
    %reduce_sum3A_73 = arith.constant dense<0.000000e+00> : vector<2048xf32>
    %reduce_sum3A_74 = vector.multi_reduction <add>, %select_n3A_72, %reduce_sum3A_73 [1] : vector<2048x8xf32> to vector<2048xf32>
    %broadcast_in_dim3A_75 = vector.shape_cast %reduce_sum3A_74 : vector<2048xf32> to vector<2048x1xf32>
    %eq3A_76 = arith.constant 2 : i32
    %eq3A_77 = vector.broadcast %eq3A_76 : i32 to vector<2048x8xi32>
    %eq3A_78 = arith.cmpi eq, %select_n3A_19, %eq3A_77 : vector<2048x8xi32>
    %jit3A_79 = arith.constant 0.000000e+00 : f32
    %broadcast_in_dim3A_80 = vector.broadcast %jit3A_79 : f32 to vector<2048x8xf32>
    %select_n3A_81 = arith.select %eq3A_78, %exp3A, %broadcast_in_dim3A_80 : vector<2048x8xi1>, vector<2048x8xf32>
    %reduce_sum3A_82 = arith.constant dense<0.000000e+00> : vector<2048xf32>
    %reduce_sum3A_83 = vector.multi_reduction <add>, %select_n3A_81, %reduce_sum3A_82 [1] : vector<2048x8xf32> to vector<2048xf32>
    %broadcast_in_dim3A_84 = vector.shape_cast %reduce_sum3A_83 : vector<2048xf32> to vector<2048x1xf32>
    %eq3A_85 = arith.constant 0 : i32
    %eq3A_86 = vector.broadcast %eq3A_85 : i32 to vector<2048x8xi32>
    %eq3A_87 = arith.cmpi eq, %select_n3A_19, %eq3A_86 : vector<2048x8xi32>
    %eq3A_88 = arith.constant 1 : i32
    %eq3A_89 = vector.broadcast %eq3A_88 : i32 to vector<2048x8xi32>
    %eq3A_90 = arith.cmpi eq, %select_n3A_19, %eq3A_89 : vector<2048x8xi32>
    %broadcast_in_dim3A_91 = vector.shape_cast %broadcast_in_dim3A_75 : vector<2048x1xf32> to vector<2048x1xf32>
    %broadcast_in_dim3A_92 = vector.broadcast %broadcast_in_dim3A_91 : vector<2048x1xf32> to vector<2048x8xf32>
    %broadcast_in_dim3A_93 = vector.shape_cast %broadcast_in_dim3A_84 : vector<2048x1xf32> to vector<2048x1xf32>
    %broadcast_in_dim3A_94 = vector.broadcast %broadcast_in_dim3A_93 : vector<2048x1xf32> to vector<2048x8xf32>
    %select_n3A_95 = arith.select %eq3A_90, %broadcast_in_dim3A_92, %broadcast_in_dim3A_94 : vector<2048x8xi1>, vector<2048x8xf32>
    %broadcast_in_dim3A_96 = vector.shape_cast %broadcast_in_dim3A_66 : vector<2048x1xf32> to vector<2048x1xf32>
    %broadcast_in_dim3A_97 = vector.broadcast %broadcast_in_dim3A_96 : vector<2048x1xf32> to vector<2048x8xf32>
    %select_n3A_98 = arith.select %eq3A_87, %broadcast_in_dim3A_97, %select_n3A_95 : vector<2048x8xi1>, vector<2048x8xf32>
    %div3A = arith.divf %exp3A, %select_n3A_98 : vector<2048x8xf32>
    %eq3A_99 = arith.constant 0 : i32
    %eq3A_100 = vector.broadcast %eq3A_99 : i32 to vector<2048x8xi32>
    %eq3A_101 = arith.cmpi eq, %select_n3A_19, %eq3A_100 : vector<2048x8xi32>
    %eq3A_102 = arith.constant 1 : i32
    %eq3A_103 = vector.broadcast %eq3A_102 : i32 to vector<2048x8xi32>
    %eq3A_104 = arith.cmpi eq, %select_n3A_19, %eq3A_103 : vector<2048x8xi32>
    %jit3A_105 = arith.constant 2 : i32
    %jit3A_106 = arith.constant 5 : i32
    %broadcast_in_dim3A_107 = vector.broadcast %jit3A_105 : i32 to vector<2048x8xi32>
    %broadcast_in_dim3A_108 = vector.broadcast %jit3A_106 : i32 to vector<2048x8xi32>
    %select_n3A_109 = arith.select %eq3A_104, %broadcast_in_dim3A_107, %broadcast_in_dim3A_108 : vector<2048x8xi1>, vector<2048x8xi32>
    %jit3A_110 = arith.constant 0 : i32
    %broadcast_in_dim3A_111 = vector.broadcast %jit3A_110 : i32 to vector<2048x8xi32>
    %select_n3A_112 = arith.select %eq3A_101, %broadcast_in_dim3A_111, %select_n3A_109 : vector<2048x8xi1>, vector<2048x8xi32>
    %sub3A_113 = arith.subi %iota3A, %select_n3A_112 : vector<2048x8xi32>
    %convert_element_type3A = arith.sitofp %sub3A_113 : vector<2048x8xi32> to vector<2048x8xf32>
    %eq3A_114 = arith.constant 0 : i32
    %eq3A_115 = vector.broadcast %eq3A_114 : i32 to vector<2048x8xi32>
    %eq3A_116 = arith.cmpi eq, %select_n3A_19, %eq3A_115 : vector<2048x8xi32>
    %eq3A_117 = arith.cmpf oeq, %slice3A, %select_n3A_58 : vector<2048x8xf32>
    %and3A = arith.andi %eq3A_116, %eq3A_117 : vector<2048x8xi1>
    %jit3A_118 = arith.constant 1.000000e+09 : f32
    %broadcast_in_dim3A_119 = vector.broadcast %jit3A_118 : f32 to vector<2048x8xf32>
    %select_n3A_120 = arith.select %and3A, %convert_element_type3A, %broadcast_in_dim3A_119 : vector<2048x8xi1>, vector<2048x8xf32>
    %reduce_min3A = arith.constant dense<0x7F800000> : vector<2048xf32>
    %reduce_min3A_121 = vector.multi_reduction <minimumf>, %select_n3A_120, %reduce_min3A [1] : vector<2048x8xf32> to vector<2048xf32>
    %broadcast_in_dim3A_122 = vector.shape_cast %reduce_min3A_121 : vector<2048xf32> to vector<2048x1xf32>
    %eq3A_123 = arith.constant 1 : i32
    %eq3A_124 = vector.broadcast %eq3A_123 : i32 to vector<2048x8xi32>
    %eq3A_125 = arith.cmpi eq, %select_n3A_19, %eq3A_124 : vector<2048x8xi32>
    %eq3A_126 = arith.cmpf oeq, %slice3A, %select_n3A_58 : vector<2048x8xf32>
    %and3A_127 = arith.andi %eq3A_125, %eq3A_126 : vector<2048x8xi1>
    %jit3A_128 = arith.constant 1.000000e+09 : f32
    %broadcast_in_dim3A_129 = vector.broadcast %jit3A_128 : f32 to vector<2048x8xf32>
    %select_n3A_130 = arith.select %and3A_127, %convert_element_type3A, %broadcast_in_dim3A_129 : vector<2048x8xi1>, vector<2048x8xf32>
    %reduce_min3A_131 = arith.constant dense<0x7F800000> : vector<2048xf32>
    %reduce_min3A_132 = vector.multi_reduction <minimumf>, %select_n3A_130, %reduce_min3A_131 [1] : vector<2048x8xf32> to vector<2048xf32>
    %broadcast_in_dim3A_133 = vector.shape_cast %reduce_min3A_132 : vector<2048xf32> to vector<2048x1xf32>
    %eq3A_134 = arith.constant 2 : i32
    %eq3A_135 = vector.broadcast %eq3A_134 : i32 to vector<2048x8xi32>
    %eq3A_136 = arith.cmpi eq, %select_n3A_19, %eq3A_135 : vector<2048x8xi32>
    %eq3A_137 = arith.cmpf oeq, %slice3A, %select_n3A_58 : vector<2048x8xf32>
    %and3A_138 = arith.andi %eq3A_136, %eq3A_137 : vector<2048x8xi1>
    %jit3A_139 = arith.constant 1.000000e+09 : f32
    %broadcast_in_dim3A_140 = vector.broadcast %jit3A_139 : f32 to vector<2048x8xf32>
    %select_n3A_141 = arith.select %and3A_138, %convert_element_type3A, %broadcast_in_dim3A_140 : vector<2048x8xi1>, vector<2048x8xf32>
    %reduce_min3A_142 = arith.constant dense<0x7F800000> : vector<2048xf32>
    %reduce_min3A_143 = vector.multi_reduction <minimumf>, %select_n3A_141, %reduce_min3A_142 [1] : vector<2048x8xf32> to vector<2048xf32>
    %broadcast_in_dim3A_144 = vector.shape_cast %reduce_min3A_143 : vector<2048xf32> to vector<2048x1xf32>
    %convert_element_type3A_145 = arith.fptosi %broadcast_in_dim3A_122 : vector<2048x1xf32> to vector<2048x1xi32>
    %mul3A = arith.constant 3 : i32
    %mul3A_146 = vector.broadcast %mul3A : i32 to vector<2048x1xi32>
    %mul3A_147 = arith.muli %convert_element_type3A_145, %mul3A_146 : vector<2048x1xi32>
    %eq3A_148 = arith.constant 1 : i32
    %eq3A_149 = vector.broadcast %eq3A_148 : i32 to vector<2048x1xi32>
    %eq3A_150 = arith.cmpi eq, %convert_element_type3A_145, %eq3A_149 : vector<2048x1xi32>
    %select_n3A_151 = arith.select %eq3A_150, %broadcast_in_dim3A_144, %broadcast_in_dim3A_133 : vector<2048x1xi1>, vector<2048x1xf32>
    %convert_element_type3A_152 = arith.fptosi %select_n3A_151 : vector<2048x1xf32> to vector<2048x1xi32>
    %add3A_153 = arith.addi %mul3A_147, %convert_element_type3A_152 : vector<2048x1xi32>
    %eq3A_154 = arith.constant 0 : i32
    %eq3A_155 = vector.broadcast %eq3A_154 : i32 to vector<2048x8xi32>
    %eq3A_156 = arith.cmpi eq, %select_n3A_19, %eq3A_155 : vector<2048x8xi32>
    %eq3A_157 = arith.constant 1 : i32
    %eq3A_158 = vector.broadcast %eq3A_157 : i32 to vector<2048x8xi32>
    %eq3A_159 = arith.cmpi eq, %select_n3A_19, %eq3A_158 : vector<2048x8xi32>
    %eq3A_160 = arith.constant 0 : i32
    %eq3A_161 = vector.broadcast %eq3A_160 : i32 to vector<2048x1xi32>
    %eq3A_162 = arith.cmpi eq, %convert_element_type3A_145, %eq3A_161 : vector<2048x1xi32>
    %convert_element_type3A_163 = arith.extui %eq3A_162 : vector<2048x1xi1> to vector<2048x1xi32>
    %convert_element_type3A_164 = arith.sitofp %convert_element_type3A_163 : vector<2048x1xi32> to vector<2048x1xf32>
    %eq3A_165 = arith.constant 1 : i32
    %eq3A_166 = vector.broadcast %eq3A_165 : i32 to vector<2048x1xi32>
    %eq3A_167 = arith.cmpi eq, %convert_element_type3A_145, %eq3A_166 : vector<2048x1xi32>
    %convert_element_type3A_168 = arith.extui %eq3A_167 : vector<2048x1xi1> to vector<2048x1xi32>
    %convert_element_type3A_169 = arith.sitofp %convert_element_type3A_168 : vector<2048x1xi32> to vector<2048x1xf32>
    %broadcast_in_dim3A_170 = vector.shape_cast %convert_element_type3A_164 : vector<2048x1xf32> to vector<2048x1xf32>
    %broadcast_in_dim3A_171 = vector.broadcast %broadcast_in_dim3A_170 : vector<2048x1xf32> to vector<2048x8xf32>
    %broadcast_in_dim3A_172 = vector.shape_cast %convert_element_type3A_169 : vector<2048x1xf32> to vector<2048x1xf32>
    %broadcast_in_dim3A_173 = vector.broadcast %broadcast_in_dim3A_172 : vector<2048x1xf32> to vector<2048x8xf32>
    %select_n3A_174 = arith.select %eq3A_159, %broadcast_in_dim3A_171, %broadcast_in_dim3A_173 : vector<2048x8xi1>, vector<2048x8xf32>
    %jit3A_175 = arith.constant 1.000000e+00 : f32
    %broadcast_in_dim3A_176 = vector.broadcast %jit3A_175 : f32 to vector<2048x8xf32>
    %select_n3A_177 = arith.select %eq3A_156, %broadcast_in_dim3A_176, %select_n3A_174 : vector<2048x8xi1>, vector<2048x8xf32>
    %mul3A_178 = arith.mulf %div3A, %select_n3A_177 : vector<2048x8xf32>
    %reduce_sum3A_179 = arith.constant dense<0.000000e+00> : vector<8xf32>
    %reduce_sum3A_180 = vector.multi_reduction <add>, %mul3A_178, %reduce_sum3A_179 [0] : vector<2048x8xf32> to vector<8xf32>
    %broadcast_in_dim3A_181 = vector.shape_cast %reduce_sum3A_180 : vector<8xf32> to vector<1x8xf32>
    %iota3A_182 = tpu.iota {dimensions = array<i32: 1>} : vector<2048x8xi32>
    %eq3A_183 = vector.broadcast %add3A_153 : vector<2048x1xi32> to vector<2048x8xi32>
    %eq3A_184 = arith.cmpi eq, %eq3A_183, %iota3A_182 : vector<2048x8xi32>
    %convert_element_type3A_185 = arith.extui %eq3A_184 : vector<2048x8xi1> to vector<2048x8xi32>
    %convert_element_type3A_186 = arith.sitofp %convert_element_type3A_185 : vector<2048x8xi32> to vector<2048x8xf32>
    %broadcast_in_dim3A_187 = arith.constant 0.000000e+00 : f32
    %broadcast_in_dim3A_188 = vector.broadcast %broadcast_in_dim3A_187 : f32 to vector<1x8xf32>
    %slice3A_189 = vector.extract_strided_slice %convert_element_type3A_186 {offsets = [0, 0], sizes = [2047, 8], strides = [1, 1]} : vector<2048x8xf32> to vector<2047x8xf32>
    %concatenate3A = tpu.concatenate %broadcast_in_dim3A_188, %slice3A_189 in 0 : vector<1x8xf32>, vector<2047x8xf32> -> vector<2048x8xf32>
    %add3A_190 = arith.addf %convert_element_type3A_186, %concatenate3A : vector<2048x8xf32>
    %broadcast_in_dim3A_191 = arith.constant 0.000000e+00 : f32
    %broadcast_in_dim3A_192 = vector.broadcast %broadcast_in_dim3A_191 : f32 to vector<2x8xf32>
    %slice3A_193 = vector.extract_strided_slice %add3A_190 {offsets = [0, 0], sizes = [2046, 8], strides = [1, 1]} : vector<2048x8xf32> to vector<2046x8xf32>
    %concatenate3A_194 = tpu.concatenate %broadcast_in_dim3A_192, %slice3A_193 in 0 : vector<2x8xf32>, vector<2046x8xf32> -> vector<2048x8xf32>
    %add3A_195 = arith.addf %add3A_190, %concatenate3A_194 : vector<2048x8xf32>
    %broadcast_in_dim3A_196 = arith.constant 0.000000e+00 : f32
    %broadcast_in_dim3A_197 = vector.broadcast %broadcast_in_dim3A_196 : f32 to vector<4x8xf32>
    %slice3A_198 = vector.extract_strided_slice %add3A_195 {offsets = [0, 0], sizes = [2044, 8], strides = [1, 1]} : vector<2048x8xf32> to vector<2044x8xf32>
    %concatenate3A_199 = tpu.concatenate %broadcast_in_dim3A_197, %slice3A_198 in 0 : vector<4x8xf32>, vector<2044x8xf32> -> vector<2048x8xf32>
    %add3A_200 = arith.addf %add3A_195, %concatenate3A_199 : vector<2048x8xf32>
    %broadcast_in_dim3A_201 = arith.constant 0.000000e+00 : f32
    %broadcast_in_dim3A_202 = vector.broadcast %broadcast_in_dim3A_201 : f32 to vector<8x8xf32>
    %slice3A_203 = vector.extract_strided_slice %add3A_200 {offsets = [0, 0], sizes = [2040, 8], strides = [1, 1]} : vector<2048x8xf32> to vector<2040x8xf32>
    %concatenate3A_204 = tpu.concatenate %broadcast_in_dim3A_202, %slice3A_203 in 0 : vector<8x8xf32>, vector<2040x8xf32> -> vector<2048x8xf32>
    %add3A_205 = arith.addf %add3A_200, %concatenate3A_204 : vector<2048x8xf32>
    %broadcast_in_dim3A_206 = arith.constant 0.000000e+00 : f32
    %broadcast_in_dim3A_207 = vector.broadcast %broadcast_in_dim3A_206 : f32 to vector<16x8xf32>
    %slice3A_208 = vector.extract_strided_slice %add3A_205 {offsets = [0, 0], sizes = [2032, 8], strides = [1, 1]} : vector<2048x8xf32> to vector<2032x8xf32>
    %concatenate3A_209 = tpu.concatenate %broadcast_in_dim3A_207, %slice3A_208 in 0 : vector<16x8xf32>, vector<2032x8xf32> -> vector<2048x8xf32>
    %add3A_210 = arith.addf %add3A_205, %concatenate3A_209 : vector<2048x8xf32>
    %broadcast_in_dim3A_211 = arith.constant 0.000000e+00 : f32
    %broadcast_in_dim3A_212 = vector.broadcast %broadcast_in_dim3A_211 : f32 to vector<32x8xf32>
    %slice3A_213 = vector.extract_strided_slice %add3A_210 {offsets = [0, 0], sizes = [2016, 8], strides = [1, 1]} : vector<2048x8xf32> to vector<2016x8xf32>
    %concatenate3A_214 = tpu.concatenate %broadcast_in_dim3A_212, %slice3A_213 in 0 : vector<32x8xf32>, vector<2016x8xf32> -> vector<2048x8xf32>
    %add3A_215 = arith.addf %add3A_210, %concatenate3A_214 : vector<2048x8xf32>
    %broadcast_in_dim3A_216 = arith.constant 0.000000e+00 : f32
    %broadcast_in_dim3A_217 = vector.broadcast %broadcast_in_dim3A_216 : f32 to vector<64x8xf32>
    %slice3A_218 = vector.extract_strided_slice %add3A_215 {offsets = [0, 0], sizes = [1984, 8], strides = [1, 1]} : vector<2048x8xf32> to vector<1984x8xf32>
    %concatenate3A_219 = tpu.concatenate %broadcast_in_dim3A_217, %slice3A_218 in 0 : vector<64x8xf32>, vector<1984x8xf32> -> vector<2048x8xf32>
    %add3A_220 = arith.addf %add3A_215, %concatenate3A_219 : vector<2048x8xf32>
    %broadcast_in_dim3A_221 = arith.constant 0.000000e+00 : f32
    %broadcast_in_dim3A_222 = vector.broadcast %broadcast_in_dim3A_221 : f32 to vector<128x8xf32>
    %slice3A_223 = vector.extract_strided_slice %add3A_220 {offsets = [0, 0], sizes = [1920, 8], strides = [1, 1]} : vector<2048x8xf32> to vector<1920x8xf32>
    %concatenate3A_224 = tpu.concatenate %broadcast_in_dim3A_222, %slice3A_223 in 0 : vector<128x8xf32>, vector<1920x8xf32> -> vector<2048x8xf32>
    %add3A_225 = arith.addf %add3A_220, %concatenate3A_224 : vector<2048x8xf32>
    %broadcast_in_dim3A_226 = arith.constant 0.000000e+00 : f32
    %broadcast_in_dim3A_227 = vector.broadcast %broadcast_in_dim3A_226 : f32 to vector<256x8xf32>
    %slice3A_228 = vector.extract_strided_slice %add3A_225 {offsets = [0, 0], sizes = [1792, 8], strides = [1, 1]} : vector<2048x8xf32> to vector<1792x8xf32>
    %concatenate3A_229 = tpu.concatenate %broadcast_in_dim3A_227, %slice3A_228 in 0 : vector<256x8xf32>, vector<1792x8xf32> -> vector<2048x8xf32>
    %add3A_230 = arith.addf %add3A_225, %concatenate3A_229 : vector<2048x8xf32>
    %broadcast_in_dim3A_231 = arith.constant 0.000000e+00 : f32
    %broadcast_in_dim3A_232 = vector.broadcast %broadcast_in_dim3A_231 : f32 to vector<512x8xf32>
    %slice3A_233 = vector.extract_strided_slice %add3A_230 {offsets = [0, 0], sizes = [1536, 8], strides = [1, 1]} : vector<2048x8xf32> to vector<1536x8xf32>
    %concatenate3A_234 = tpu.concatenate %broadcast_in_dim3A_232, %slice3A_233 in 0 : vector<512x8xf32>, vector<1536x8xf32> -> vector<2048x8xf32>
    %add3A_235 = arith.addf %add3A_230, %concatenate3A_234 : vector<2048x8xf32>
    %broadcast_in_dim3A_236 = arith.constant 0.000000e+00 : f32
    %broadcast_in_dim3A_237 = vector.broadcast %broadcast_in_dim3A_236 : f32 to vector<1024x8xf32>
    %slice3A_238 = vector.extract_strided_slice %add3A_235 {offsets = [0, 0], sizes = [1024, 8], strides = [1, 1]} : vector<2048x8xf32> to vector<1024x8xf32>
    %concatenate3A_239 = tpu.concatenate %broadcast_in_dim3A_237, %slice3A_238 in 0 : vector<1024x8xf32>, vector<1024x8xf32> -> vector<2048x8xf32>
    %add3A_240 = arith.addf %add3A_235, %concatenate3A_239 : vector<2048x8xf32>
    %slice3A_241 = vector.extract_strided_slice %add3A_240 {offsets = [2047, 0], sizes = [1, 8], strides = [1, 1]} : vector<2048x8xf32> to vector<1x8xf32>
    %sub3A_242 = arith.constant 1.000000e+00 : f32
    %sub3A_243 = vector.broadcast %sub3A_242 : f32 to vector<2048x8xf32>
    %sub3A_244 = arith.subf %add3A_240, %sub3A_243 : vector<2048x8xf32>
    %mul3A_245 = arith.mulf %convert_element_type3A_186, %sub3A_244 : vector<2048x8xf32>
    %reduce_sum3A_246 = arith.constant dense<0.000000e+00> : vector<2048xf32>
    %reduce_sum3A_247 = vector.multi_reduction <add>, %mul3A_245, %reduce_sum3A_246 [1] : vector<2048x8xf32> to vector<2048xf32>
    %broadcast_in_dim3A_248 = vector.shape_cast %reduce_sum3A_247 : vector<2048xf32> to vector<2048x1xf32>
    %mul3A_249 = arith.constant 0.001953125 : f32
    %mul3A_250 = vector.broadcast %mul3A_249 : f32 to vector<1x8xf32>
    %mul3A_251 = arith.mulf %slice3A_241, %mul3A_250 : vector<1x8xf32>
    %ceil3A = math.ceil %mul3A_251 : vector<1x8xf32>
    %mul3A_252 = arith.constant 5.120000e+02 : f32
    %mul3A_253 = vector.broadcast %mul3A_252 : f32 to vector<1x8xf32>
    %mul3A_254 = arith.mulf %ceil3A, %mul3A_253 : vector<1x8xf32>
    %broadcast_in_dim3A_255 = arith.constant 0.000000e+00 : f32
    %broadcast_in_dim3A_256 = vector.broadcast %broadcast_in_dim3A_255 : f32 to vector<1x1xf32>
    %slice3A_257 = vector.extract_strided_slice %mul3A_254 {offsets = [0, 0], sizes = [1, 7], strides = [1, 1]} : vector<1x8xf32> to vector<1x7xf32>
    %concatenate3A_258 = tpu.concatenate %broadcast_in_dim3A_256, %slice3A_257 in 1 : vector<1x1xf32>, vector<1x7xf32> -> vector<1x8xf32>
    %add3A_259 = arith.addf %mul3A_254, %concatenate3A_258 : vector<1x8xf32>
    %slice3A_260 = vector.extract_strided_slice %ceil3A {offsets = [0, 0], sizes = [1, 7], strides = [1, 1]} : vector<1x8xf32> to vector<1x7xf32>
    %concatenate3A_261 = tpu.concatenate %broadcast_in_dim3A_256, %slice3A_260 in 1 : vector<1x1xf32>, vector<1x7xf32> -> vector<1x8xf32>
    %add3A_262 = arith.addf %ceil3A, %concatenate3A_261 : vector<1x8xf32>
    %broadcast_in_dim3A_263 = arith.constant 0.000000e+00 : f32
    %broadcast_in_dim3A_264 = vector.broadcast %broadcast_in_dim3A_263 : f32 to vector<1x2xf32>
    %slice3A_265 = vector.extract_strided_slice %add3A_259 {offsets = [0, 0], sizes = [1, 6], strides = [1, 1]} : vector<1x8xf32> to vector<1x6xf32>
    %concatenate3A_266 = tpu.concatenate %broadcast_in_dim3A_264, %slice3A_265 in 1 : vector<1x2xf32>, vector<1x6xf32> -> vector<1x8xf32>
    %add3A_267 = arith.addf %add3A_259, %concatenate3A_266 : vector<1x8xf32>
    %slice3A_268 = vector.extract_strided_slice %add3A_262 {offsets = [0, 0], sizes = [1, 6], strides = [1, 1]} : vector<1x8xf32> to vector<1x6xf32>
    %concatenate3A_269 = tpu.concatenate %broadcast_in_dim3A_264, %slice3A_268 in 1 : vector<1x2xf32>, vector<1x6xf32> -> vector<1x8xf32>
    %add3A_270 = arith.addf %add3A_262, %concatenate3A_269 : vector<1x8xf32>
    %broadcast_in_dim3A_271 = arith.constant 0.000000e+00 : f32
    %broadcast_in_dim3A_272 = vector.broadcast %broadcast_in_dim3A_271 : f32 to vector<1x4xf32>
    %slice3A_273 = vector.extract_strided_slice %add3A_267 {offsets = [0, 0], sizes = [1, 4], strides = [1, 1]} : vector<1x8xf32> to vector<1x4xf32>
    %concatenate3A_274 = tpu.concatenate %broadcast_in_dim3A_272, %slice3A_273 in 1 : vector<1x4xf32>, vector<1x4xf32> -> vector<1x8xf32>
    %add3A_275 = arith.addf %add3A_267, %concatenate3A_274 : vector<1x8xf32>
    %slice3A_276 = vector.extract_strided_slice %add3A_270 {offsets = [0, 0], sizes = [1, 4], strides = [1, 1]} : vector<1x8xf32> to vector<1x4xf32>
    %concatenate3A_277 = tpu.concatenate %broadcast_in_dim3A_272, %slice3A_276 in 1 : vector<1x4xf32>, vector<1x4xf32> -> vector<1x8xf32>
    %add3A_278 = arith.addf %add3A_270, %concatenate3A_277 : vector<1x8xf32>
    %sub3A_279 = arith.subf %add3A_275, %mul3A_254 : vector<1x8xf32>
    %mul3A_280 = vector.broadcast %sub3A_279 : vector<1x8xf32> to vector<2048x8xf32>
    %mul3A_281 = arith.mulf %convert_element_type3A_186, %mul3A_280 : vector<2048x8xf32>
    %reduce_sum3A_282 = arith.constant dense<0.000000e+00> : vector<2048xf32>
    %reduce_sum3A_283 = vector.multi_reduction <add>, %mul3A_281, %reduce_sum3A_282 [1] : vector<2048x8xf32> to vector<2048xf32>
    %broadcast_in_dim3A_284 = vector.shape_cast %reduce_sum3A_283 : vector<2048xf32> to vector<2048x1xf32>
    %add3A_285 = arith.addf %broadcast_in_dim3A_284, %broadcast_in_dim3A_248 : vector<2048x1xf32>
    %convert_element_type3A_286 = arith.fptosi %add3A_285 : vector<2048x1xf32> to vector<2048x1xi32>
    %swap3A = arith.constant 0 : index
    %swap3A_287 = arith.constant 0 : index
    %swap3A_288 = vector.load %arg3[%swap3A, %swap3A_287] : memref<2048x1xi32, #tpu.memory_space<vmem>>, vector<2048x1xi32>
    tpu.vector_store %arg3[%swap3A, %swap3A_287], %convert_element_type3A_286 {strides = array<i32>} : memref<2048x1xi32, #tpu.memory_space<vmem>>, vector<2048x1xi32>,
    %iota3A_289 = tpu.iota {dimensions = array<i32: 1>} : vector<1x8xi32>
    %lt3A_290 = arith.constant 3 : i32
    %lt3A_291 = vector.broadcast %lt3A_290 : i32 to vector<1x8xi32>
    %lt3A_292 = arith.cmpi slt, %iota3A_289, %lt3A_291 : vector<1x8xi32>
    %jit3A_293 = arith.constant 0.000000e+00 : f32
    %broadcast_in_dim3A_294 = vector.broadcast %jit3A_293 : f32 to vector<1x8xf32>
    %select_n3A_295 = arith.select %lt3A_292, %slice3A_241, %broadcast_in_dim3A_294 : vector<1x8xi1>, vector<1x8xf32>
    %reduce_sum3A_296 = vector.shape_cast %select_n3A_295 : vector<1x8xf32> to vector<1x1x8xf32>
    %reduce_sum3A_297 = arith.constant dense<0.000000e+00> : vector<1xf32>
    %reduce_sum3A_298 = vector.multi_reduction <add>, %reduce_sum3A_296, %reduce_sum3A_297 [1, 2] : vector<1x1x8xf32> to vector<1xf32>
    %reduce_sum3A_299 = vector.shape_cast %reduce_sum3A_298 : vector<1xf32> to vector<1x1x1xf32>
    %reduce_sum3A_300 = vector.extract %reduce_sum3A_299[0, 0, 0] : f32 from vector<1x1x1xf32>
    %ge3A = arith.constant 3 : i32
    %ge3A_301 = vector.broadcast %ge3A : i32 to vector<1x8xi32>
    %ge3A_302 = arith.cmpi sge, %iota3A_289, %ge3A_301 : vector<1x8xi32>
    %lt3A_303 = arith.constant 6 : i32
    %lt3A_304 = vector.broadcast %lt3A_303 : i32 to vector<1x8xi32>
    %lt3A_305 = arith.cmpi slt, %iota3A_289, %lt3A_304 : vector<1x8xi32>
    %and3A_306 = arith.andi %ge3A_302, %lt3A_305 : vector<1x8xi1>
    %jit3A_307 = arith.constant 0.000000e+00 : f32
    %broadcast_in_dim3A_308 = vector.broadcast %jit3A_307 : f32 to vector<1x8xf32>
    %select_n3A_309 = arith.select %and3A_306, %slice3A_241, %broadcast_in_dim3A_308 : vector<1x8xi1>, vector<1x8xf32>
    %reduce_sum3A_310 = vector.shape_cast %select_n3A_309 : vector<1x8xf32> to vector<1x1x8xf32>
    %reduce_sum3A_311 = arith.constant dense<0.000000e+00> : vector<1xf32>
    %reduce_sum3A_312 = vector.multi_reduction <add>, %reduce_sum3A_310, %reduce_sum3A_311 [1, 2] : vector<1x1x8xf32> to vector<1xf32>
    %reduce_sum3A_313 = vector.shape_cast %reduce_sum3A_312 : vector<1xf32> to vector<1x1x1xf32>
    %reduce_sum3A_314 = vector.extract %reduce_sum3A_313[0, 0, 0] : f32 from vector<1x1x1xf32>
    %max3A = arith.constant 1.000000e+00 : f32
    %max3A_315 = arith.maximumf %reduce_sum3A_300, %max3A : f32
    %max3A_316 = arith.constant 1.000000e+00 : f32
    %max3A_317 = arith.maximumf %reduce_sum3A_314, %max3A_316 : f32
    %mul3A_318 = arith.constant 2.048000e+03 : f32
    %mul3A_319 = arith.constant 2.048000e+03 : f32
    %mul3A_320 = arith.mulf %mul3A_318, %mul3A_319 : f32
    %div3A_321 = arith.constant 2.000000e-02 : f32
    %div3A_322 = arith.divf %div3A_321, %mul3A_320 : f32
    %gt3A = arith.constant 0.000000e+00 : f32
    %gt3A_323 = arith.cmpf ogt, %reduce_sum3A_300, %gt3A : f32
    %mul3A_324 = arith.mulf %max3A_315, %max3A_315 : f32
    %div3A_325 = arith.constant 3.000000e-02 : f32
    %div3A_326 = arith.divf %div3A_325, %mul3A_324 : f32
    %jit3A_327 = arith.constant 0.000000e+00 : f32
    %select_n3A_328 = arith.select %gt3A_323, %div3A_326, %jit3A_327 : f32
    %gt3A_329 = arith.constant 0.000000e+00 : f32
    %gt3A_330 = arith.cmpf ogt, %reduce_sum3A_314, %gt3A_329 : f32
    %mul3A_331 = arith.mulf %max3A_317, %max3A_317 : f32
    %div3A_332 = arith.constant 3.000000e-02 : f32
    %div3A_333 = arith.divf %div3A_332, %mul3A_331 : f32
    %jit3A_334 = arith.constant 0.000000e+00 : f32
    %select_n3A_335 = arith.select %gt3A_330, %div3A_333, %jit3A_334 : f32
    %lt3A_336 = arith.constant 2 : i32
    %lt3A_337 = vector.broadcast %lt3A_336 : i32 to vector<1x8xi32>
    %lt3A_338 = arith.cmpi slt, %iota3A_289, %lt3A_337 : vector<1x8xi32>
    %lt3A_339 = arith.constant 5 : i32
    %lt3A_340 = vector.broadcast %lt3A_339 : i32 to vector<1x8xi32>
    %lt3A_341 = arith.cmpi slt, %iota3A_289, %lt3A_340 : vector<1x8xi32>
    %broadcast_in_dim3A_342 = vector.broadcast %select_n3A_328 : f32 to vector<1x8xf32>
    %broadcast_in_dim3A_343 = vector.broadcast %select_n3A_335 : f32 to vector<1x8xf32>
    %select_n3A_344 = arith.select %lt3A_341, %broadcast_in_dim3A_342, %broadcast_in_dim3A_343 : vector<1x8xi1>, vector<1x8xf32>
    %broadcast_in_dim3A_345 = vector.broadcast %div3A_322 : f32 to vector<1x8xf32>
    %select_n3A_346 = arith.select %lt3A_338, %broadcast_in_dim3A_345, %select_n3A_344 : vector<1x8xi1>, vector<1x8xf32>
    %mul3A_347 = arith.mulf %broadcast_in_dim3A_181, %broadcast_in_dim3A_181 : vector<1x8xf32>
    %mul3A_348 = arith.mulf %mul3A_347, %select_n3A_346 : vector<1x8xf32>
    %reduce_sum3A_349 = vector.shape_cast %mul3A_348 : vector<1x8xf32> to vector<1x1x8xf32>
    %reduce_sum3A_350 = arith.constant dense<0.000000e+00> : vector<1xf32>
    %reduce_sum3A_351 = vector.multi_reduction <add>, %reduce_sum3A_349, %reduce_sum3A_350 [1, 2] : vector<1x1x8xf32> to vector<1xf32>
    %reduce_sum3A_352 = vector.shape_cast %reduce_sum3A_351 : vector<1xf32> to vector<1x1x1xf32>
    %reduce_sum3A_353 = vector.extract %reduce_sum3A_352[0, 0, 0] : f32 from vector<1x1x1xf32>
    %eq3A_354 = arith.constant 0 : i32
    %eq3A_355 = vector.broadcast %eq3A_354 : i32 to vector<1x8xi32>
    %eq3A_356 = arith.cmpi eq, %iota3A_289, %eq3A_355 : vector<1x8xi32>
    %jit3A_357 = arith.constant 0.000000e+00 : f32
    %broadcast_in_dim3A_358 = vector.broadcast %jit3A_357 : f32 to vector<1x8xf32>
    %select_n3A_359 = arith.select %eq3A_356, %add3A_278, %broadcast_in_dim3A_358 : vector<1x8xi1>, vector<1x8xf32>
    %reduce_sum3A_360 = vector.shape_cast %select_n3A_359 : vector<1x8xf32> to vector<1x1x8xf32>
    %reduce_sum3A_361 = arith.constant dense<0.000000e+00> : vector<1xf32>
    %reduce_sum3A_362 = vector.multi_reduction <add>, %reduce_sum3A_360, %reduce_sum3A_361 [1, 2] : vector<1x1x8xf32> to vector<1xf32>
    %reduce_sum3A_363 = vector.shape_cast %reduce_sum3A_362 : vector<1xf32> to vector<1x1x1xf32>
    %reduce_sum3A_364 = vector.extract %reduce_sum3A_363[0, 0, 0] : f32 from vector<1x1x1xf32>
    %eq3A_365 = arith.constant 1 : i32
    %eq3A_366 = vector.broadcast %eq3A_365 : i32 to vector<1x8xi32>
    %eq3A_367 = arith.cmpi eq, %iota3A_289, %eq3A_366 : vector<1x8xi32>
    %jit3A_368 = arith.constant 0.000000e+00 : f32
    %broadcast_in_dim3A_369 = vector.broadcast %jit3A_368 : f32 to vector<1x8xf32>
    %select_n3A_370 = arith.select %eq3A_367, %add3A_278, %broadcast_in_dim3A_369 : vector<1x8xi1>, vector<1x8xf32>
    %reduce_sum3A_371 = vector.shape_cast %select_n3A_370 : vector<1x8xf32> to vector<1x1x8xf32>
    %reduce_sum3A_372 = arith.constant dense<0.000000e+00> : vector<1xf32>
    %reduce_sum3A_373 = vector.multi_reduction <add>, %reduce_sum3A_371, %reduce_sum3A_372 [1, 2] : vector<1x1x8xf32> to vector<1xf32>
    %reduce_sum3A_374 = vector.shape_cast %reduce_sum3A_373 : vector<1xf32> to vector<1x1x1xf32>
    %reduce_sum3A_375 = vector.extract %reduce_sum3A_374[0, 0, 0] : f32 from vector<1x1x1xf32>
    %eq3A_376 = arith.constant 2 : i32
    %eq3A_377 = vector.broadcast %eq3A_376 : i32 to vector<1x8xi32>
    %eq3A_378 = arith.cmpi eq, %iota3A_289, %eq3A_377 : vector<1x8xi32>
    %jit3A_379 = arith.constant 0.000000e+00 : f32
    %broadcast_in_dim3A_380 = vector.broadcast %jit3A_379 : f32 to vector<1x8xf32>
    %select_n3A_381 = arith.select %eq3A_378, %add3A_278, %broadcast_in_dim3A_380 : vector<1x8xi1>, vector<1x8xf32>
    %reduce_sum3A_382 = vector.shape_cast %select_n3A_381 : vector<1x8xf32> to vector<1x1x8xf32>
    %reduce_sum3A_383 = arith.constant dense<0.000000e+00> : vector<1xf32>
    %reduce_sum3A_384 = vector.multi_reduction <add>, %reduce_sum3A_382, %reduce_sum3A_383 [1, 2] : vector<1x1x8xf32> to vector<1xf32>
    %reduce_sum3A_385 = vector.shape_cast %reduce_sum3A_384 : vector<1xf32> to vector<1x1x1xf32>
    %reduce_sum3A_386 = vector.extract %reduce_sum3A_385[0, 0, 0] : f32 from vector<1x1x1xf32>
    %eq3A_387 = arith.constant 3 : i32
    %eq3A_388 = vector.broadcast %eq3A_387 : i32 to vector<1x8xi32>
    %eq3A_389 = arith.cmpi eq, %iota3A_289, %eq3A_388 : vector<1x8xi32>
    %jit3A_390 = arith.constant 0.000000e+00 : f32
    %broadcast_in_dim3A_391 = vector.broadcast %jit3A_390 : f32 to vector<1x8xf32>
    %select_n3A_392 = arith.select %eq3A_389, %add3A_278, %broadcast_in_dim3A_391 : vector<1x8xi1>, vector<1x8xf32>
    %reduce_sum3A_393 = vector.shape_cast %select_n3A_392 : vector<1x8xf32> to vector<1x1x8xf32>
    %reduce_sum3A_394 = arith.constant dense<0.000000e+00> : vector<1xf32>
    %reduce_sum3A_395 = vector.multi_reduction <add>, %reduce_sum3A_393, %reduce_sum3A_394 [1, 2] : vector<1x1x8xf32> to vector<1xf32>
    %reduce_sum3A_396 = vector.shape_cast %reduce_sum3A_395 : vector<1xf32> to vector<1x1x1xf32>
    %reduce_sum3A_397 = vector.extract %reduce_sum3A_396[0, 0, 0] : f32 from vector<1x1x1xf32>
    %eq3A_398 = arith.constant 4 : i32
    %eq3A_399 = vector.broadcast %eq3A_398 : i32 to vector<1x8xi32>
    %eq3A_400 = arith.cmpi eq, %iota3A_289, %eq3A_399 : vector<1x8xi32>
    %jit3A_401 = arith.constant 0.000000e+00 : f32
    %broadcast_in_dim3A_402 = vector.broadcast %jit3A_401 : f32 to vector<1x8xf32>
    %select_n3A_403 = arith.select %eq3A_400, %add3A_278, %broadcast_in_dim3A_402 : vector<1x8xi1>, vector<1x8xf32>
    %reduce_sum3A_404 = vector.shape_cast %select_n3A_403 : vector<1x8xf32> to vector<1x1x8xf32>
    %reduce_sum3A_405 = arith.constant dense<0.000000e+00> : vector<1xf32>
    %reduce_sum3A_406 = vector.multi_reduction <add>, %reduce_sum3A_404, %reduce_sum3A_405 [1, 2] : vector<1x1x8xf32> to vector<1xf32>
    %reduce_sum3A_407 = vector.shape_cast %reduce_sum3A_406 : vector<1xf32> to vector<1x1x1xf32>
    %reduce_sum3A_408 = vector.extract %reduce_sum3A_407[0, 0, 0] : f32 from vector<1x1x1xf32>
    %eq3A_409 = arith.constant 5 : i32
    %eq3A_410 = vector.broadcast %eq3A_409 : i32 to vector<1x8xi32>
    %eq3A_411 = arith.cmpi eq, %iota3A_289, %eq3A_410 : vector<1x8xi32>
    %jit3A_412 = arith.constant 0.000000e+00 : f32
    %broadcast_in_dim3A_413 = vector.broadcast %jit3A_412 : f32 to vector<1x8xf32>
    %select_n3A_414 = arith.select %eq3A_411, %add3A_278, %broadcast_in_dim3A_413 : vector<1x8xi1>, vector<1x8xf32>
    %reduce_sum3A_415 = vector.shape_cast %select_n3A_414 : vector<1x8xf32> to vector<1x1x8xf32>
    %reduce_sum3A_416 = arith.constant dense<0.000000e+00> : vector<1xf32>
    %reduce_sum3A_417 = vector.multi_reduction <add>, %reduce_sum3A_415, %reduce_sum3A_416 [1, 2] : vector<1x1x8xf32> to vector<1xf32>
    %reduce_sum3A_418 = vector.shape_cast %reduce_sum3A_417 : vector<1xf32> to vector<1x1x1xf32>
    %reduce_sum3A_419 = vector.extract %reduce_sum3A_418[0, 0, 0] : f32 from vector<1x1x1xf32>
    %eq3A_420 = arith.constant 0 : i32
    %eq3A_421 = vector.broadcast %eq3A_420 : i32 to vector<1x8xi32>
    %eq3A_422 = arith.cmpi eq, %iota3A_289, %eq3A_421 : vector<1x8xi32>
    %sub3A_423 = arith.subf %add3A_278, %ceil3A : vector<1x8xf32>
    %jit3A_424 = arith.constant 0.000000e+00 : f32
    %broadcast_in_dim3A_425 = vector.broadcast %jit3A_424 : f32 to vector<1x8xf32>
    %select_n3A_426 = arith.select %eq3A_422, %sub3A_423, %broadcast_in_dim3A_425 : vector<1x8xi1>, vector<1x8xf32>
    %reduce_sum3A_427 = vector.shape_cast %select_n3A_426 : vector<1x8xf32> to vector<1x1x8xf32>
    %reduce_sum3A_428 = arith.constant dense<0.000000e+00> : vector<1xf32>
    %reduce_sum3A_429 = vector.multi_reduction <add>, %reduce_sum3A_427, %reduce_sum3A_428 [1, 2] : vector<1x1x8xf32> to vector<1xf32>
    %reduce_sum3A_430 = vector.shape_cast %reduce_sum3A_429 : vector<1xf32> to vector<1x1x1xf32>
    %reduce_sum3A_431 = vector.extract %reduce_sum3A_430[0, 0, 0] : f32 from vector<1x1x1xf32>
    %eq3A_432 = arith.constant 1 : i32
    %eq3A_433 = vector.broadcast %eq3A_432 : i32 to vector<1x8xi32>
    %eq3A_434 = arith.cmpi eq, %iota3A_289, %eq3A_433 : vector<1x8xi32>
    %sub3A_435 = arith.subf %add3A_278, %ceil3A : vector<1x8xf32>
    %jit3A_436 = arith.constant 0.000000e+00 : f32
    %broadcast_in_dim3A_437 = vector.broadcast %jit3A_436 : f32 to vector<1x8xf32>
    %select_n3A_438 = arith.select %eq3A_434, %sub3A_435, %broadcast_in_dim3A_437 : vector<1x8xi1>, vector<1x8xf32>
    %reduce_sum3A_439 = vector.shape_cast %select_n3A_438 : vector<1x8xf32> to vector<1x1x8xf32>
    %reduce_sum3A_440 = arith.constant dense<0.000000e+00> : vector<1xf32>
    %reduce_sum3A_441 = vector.multi_reduction <add>, %reduce_sum3A_439, %reduce_sum3A_440 [1, 2] : vector<1x1x8xf32> to vector<1xf32>
    %reduce_sum3A_442 = vector.shape_cast %reduce_sum3A_441 : vector<1xf32> to vector<1x1x1xf32>
    %reduce_sum3A_443 = vector.extract %reduce_sum3A_442[0, 0, 0] : f32 from vector<1x1x1xf32>
    %eq3A_444 = arith.constant 2 : i32
    %eq3A_445 = vector.broadcast %eq3A_444 : i32 to vector<1x8xi32>
    %eq3A_446 = arith.cmpi eq, %iota3A_289, %eq3A_445 : vector<1x8xi32>
    %sub3A_447 = arith.subf %add3A_278, %ceil3A : vector<1x8xf32>
    %jit3A_448 = arith.constant 0.000000e+00 : f32
    %broadcast_in_dim3A_449 = vector.broadcast %jit3A_448 : f32 to vector<1x8xf32>
    %select_n3A_450 = arith.select %eq3A_446, %sub3A_447, %broadcast_in_dim3A_449 : vector<1x8xi1>, vector<1x8xf32>
    %reduce_sum3A_451 = vector.shape_cast %select_n3A_450 : vector<1x8xf32> to vector<1x1x8xf32>
    %reduce_sum3A_452 = arith.constant dense<0.000000e+00> : vector<1xf32>
    %reduce_sum3A_453 = vector.multi_reduction <add>, %reduce_sum3A_451, %reduce_sum3A_452 [1, 2] : vector<1x1x8xf32> to vector<1xf32>
    %reduce_sum3A_454 = vector.shape_cast %reduce_sum3A_453 : vector<1xf32> to vector<1x1x1xf32>
    %reduce_sum3A_455 = vector.extract %reduce_sum3A_454[0, 0, 0] : f32 from vector<1x1x1xf32>
    %eq3A_456 = arith.constant 3 : i32
    %eq3A_457 = vector.broadcast %eq3A_456 : i32 to vector<1x8xi32>
    %eq3A_458 = arith.cmpi eq, %iota3A_289, %eq3A_457 : vector<1x8xi32>
    %sub3A_459 = arith.subf %add3A_278, %ceil3A : vector<1x8xf32>
    %jit3A_460 = arith.constant 0.000000e+00 : f32
    %broadcast_in_dim3A_461 = vector.broadcast %jit3A_460 : f32 to vector<1x8xf32>
    %select_n3A_462 = arith.select %eq3A_458, %sub3A_459, %broadcast_in_dim3A_461 : vector<1x8xi1>, vector<1x8xf32>
    %reduce_sum3A_463 = vector.shape_cast %select_n3A_462 : vector<1x8xf32> to vector<1x1x8xf32>
    %reduce_sum3A_464 = arith.constant dense<0.000000e+00> : vector<1xf32>
    %reduce_sum3A_465 = vector.multi_reduction <add>, %reduce_sum3A_463, %reduce_sum3A_464 [1, 2] : vector<1x1x8xf32> to vector<1xf32>
    %reduce_sum3A_466 = vector.shape_cast %reduce_sum3A_465 : vector<1xf32> to vector<1x1x1xf32>
    %reduce_sum3A_467 = vector.extract %reduce_sum3A_466[0, 0, 0] : f32 from vector<1x1x1xf32>
    %eq3A_468 = arith.constant 4 : i32
    %eq3A_469 = vector.broadcast %eq3A_468 : i32 to vector<1x8xi32>
    %eq3A_470 = arith.cmpi eq, %iota3A_289, %eq3A_469 : vector<1x8xi32>
    %sub3A_471 = arith.subf %add3A_278, %ceil3A : vector<1x8xf32>
    %jit3A_472 = arith.constant 0.000000e+00 : f32
    %broadcast_in_dim3A_473 = vector.broadcast %jit3A_472 : f32 to vector<1x8xf32>
    %select_n3A_474 = arith.select %eq3A_470, %sub3A_471, %broadcast_in_dim3A_473 : vector<1x8xi1>, vector<1x8xf32>
    %reduce_sum3A_475 = vector.shape_cast %select_n3A_474 : vector<1x8xf32> to vector<1x1x8xf32>
    %reduce_sum3A_476 = arith.constant dense<0.000000e+00> : vector<1xf32>
    %reduce_sum3A_477 = vector.multi_reduction <add>, %reduce_sum3A_475, %reduce_sum3A_476 [1, 2] : vector<1x1x8xf32> to vector<1xf32>
    %reduce_sum3A_478 = vector.shape_cast %reduce_sum3A_477 : vector<1xf32> to vector<1x1x1xf32>
    %reduce_sum3A_479 = vector.extract %reduce_sum3A_478[0, 0, 0] : f32 from vector<1x1x1xf32>
    %eq3A_480 = arith.constant 5 : i32
    %eq3A_481 = vector.broadcast %eq3A_480 : i32 to vector<1x8xi32>
    %eq3A_482 = arith.cmpi eq, %iota3A_289, %eq3A_481 : vector<1x8xi32>
    %sub3A_483 = arith.subf %add3A_278, %ceil3A : vector<1x8xf32>
    %jit3A_484 = arith.constant 0.000000e+00 : f32
    %broadcast_in_dim3A_485 = vector.broadcast %jit3A_484 : f32 to vector<1x8xf32>
    %select_n3A_486 = arith.select %eq3A_482, %sub3A_483, %broadcast_in_dim3A_485 : vector<1x8xi1>, vector<1x8xf32>
    %reduce_sum3A_487 = vector.shape_cast %select_n3A_486 : vector<1x8xf32> to vector<1x1x8xf32>
    %reduce_sum3A_488 = arith.constant dense<0.000000e+00> : vector<1xf32>
    %reduce_sum3A_489 = vector.multi_reduction <add>, %reduce_sum3A_487, %reduce_sum3A_488 [1, 2] : vector<1x1x8xf32> to vector<1xf32>
    %reduce_sum3A_490 = vector.shape_cast %reduce_sum3A_489 : vector<1xf32> to vector<1x1x1xf32>
    %reduce_sum3A_491 = vector.extract %reduce_sum3A_490[0, 0, 0] : f32 from vector<1x1x1xf32>
    %eq3A_492 = arith.constant 0 : i32
    %eq3A_493 = vector.broadcast %eq3A_492 : i32 to vector<1x8xi32>
    %eq3A_494 = arith.cmpi eq, %iota3A_289, %eq3A_493 : vector<1x8xi32>
    %jit3A_495 = arith.constant 0.000000e+00 : f32
    %broadcast_in_dim3A_496 = vector.broadcast %jit3A_495 : f32 to vector<1x8xf32>
    %select_n3A_497 = arith.select %eq3A_494, %sub3A_279, %broadcast_in_dim3A_496 : vector<1x8xi1>, vector<1x8xf32>
    %reduce_sum3A_498 = vector.shape_cast %select_n3A_497 : vector<1x8xf32> to vector<1x1x8xf32>
    %reduce_sum3A_499 = arith.constant dense<0.000000e+00> : vector<1xf32>
    %reduce_sum3A_500 = vector.multi_reduction <add>, %reduce_sum3A_498, %reduce_sum3A_499 [1, 2] : vector<1x1x8xf32> to vector<1xf32>
    %reduce_sum3A_501 = vector.shape_cast %reduce_sum3A_500 : vector<1xf32> to vector<1x1x1xf32>
    %reduce_sum3A_502 = vector.extract %reduce_sum3A_501[0, 0, 0] : f32 from vector<1x1x1xf32>
    %mul3A_503 = arith.constant 0.001953125 : f32
    %mul3A_504 = arith.mulf %reduce_sum3A_502, %mul3A_503 : f32
    %eq3A_505 = arith.constant 1 : i32
    %eq3A_506 = vector.broadcast %eq3A_505 : i32 to vector<1x8xi32>
    %eq3A_507 = arith.cmpi eq, %iota3A_289, %eq3A_506 : vector<1x8xi32>
    %jit3A_508 = arith.constant 0.000000e+00 : f32
    %broadcast_in_dim3A_509 = vector.broadcast %jit3A_508 : f32 to vector<1x8xf32>
    %select_n3A_510 = arith.select %eq3A_507, %sub3A_279, %broadcast_in_dim3A_509 : vector<1x8xi1>, vector<1x8xf32>
    %reduce_sum3A_511 = vector.shape_cast %select_n3A_510 : vector<1x8xf32> to vector<1x1x8xf32>
    %reduce_sum3A_512 = arith.constant dense<0.000000e+00> : vector<1xf32>
    %reduce_sum3A_513 = vector.multi_reduction <add>, %reduce_sum3A_511, %reduce_sum3A_512 [1, 2] : vector<1x1x8xf32> to vector<1xf32>
    %reduce_sum3A_514 = vector.shape_cast %reduce_sum3A_513 : vector<1xf32> to vector<1x1x1xf32>
    %reduce_sum3A_515 = vector.extract %reduce_sum3A_514[0, 0, 0] : f32 from vector<1x1x1xf32>
    %mul3A_516 = arith.constant 0.001953125 : f32
    %mul3A_517 = arith.mulf %reduce_sum3A_515, %mul3A_516 : f32
    %eq3A_518 = arith.constant 2 : i32
    %eq3A_519 = vector.broadcast %eq3A_518 : i32 to vector<1x8xi32>
    %eq3A_520 = arith.cmpi eq, %iota3A_289, %eq3A_519 : vector<1x8xi32>
    %jit3A_521 = arith.constant 0.000000e+00 : f32
    %broadcast_in_dim3A_522 = vector.broadcast %jit3A_521 : f32 to vector<1x8xf32>
    %select_n3A_523 = arith.select %eq3A_520, %sub3A_279, %broadcast_in_dim3A_522 : vector<1x8xi1>, vector<1x8xf32>
    %reduce_sum3A_524 = vector.shape_cast %select_n3A_523 : vector<1x8xf32> to vector<1x1x8xf32>
    %reduce_sum3A_525 = arith.constant dense<0.000000e+00> : vector<1xf32>
    %reduce_sum3A_526 = vector.multi_reduction <add>, %reduce_sum3A_524, %reduce_sum3A_525 [1, 2] : vector<1x1x8xf32> to vector<1xf32>
    %reduce_sum3A_527 = vector.shape_cast %reduce_sum3A_526 : vector<1xf32> to vector<1x1x1xf32>
    %reduce_sum3A_528 = vector.extract %reduce_sum3A_527[0, 0, 0] : f32 from vector<1x1x1xf32>
    %mul3A_529 = arith.constant 0.001953125 : f32
    %mul3A_530 = arith.mulf %reduce_sum3A_528, %mul3A_529 : f32
    %eq3A_531 = arith.constant 3 : i32
    %eq3A_532 = vector.broadcast %eq3A_531 : i32 to vector<1x8xi32>
    %eq3A_533 = arith.cmpi eq, %iota3A_289, %eq3A_532 : vector<1x8xi32>
    %jit3A_534 = arith.constant 0.000000e+00 : f32
    %broadcast_in_dim3A_535 = vector.broadcast %jit3A_534 : f32 to vector<1x8xf32>
    %select_n3A_536 = arith.select %eq3A_533, %sub3A_279, %broadcast_in_dim3A_535 : vector<1x8xi1>, vector<1x8xf32>
    %reduce_sum3A_537 = vector.shape_cast %select_n3A_536 : vector<1x8xf32> to vector<1x1x8xf32>
    %reduce_sum3A_538 = arith.constant dense<0.000000e+00> : vector<1xf32>
    %reduce_sum3A_539 = vector.multi_reduction <add>, %reduce_sum3A_537, %reduce_sum3A_538 [1, 2] : vector<1x1x8xf32> to vector<1xf32>
    %reduce_sum3A_540 = vector.shape_cast %reduce_sum3A_539 : vector<1xf32> to vector<1x1x1xf32>
    %reduce_sum3A_541 = vector.extract %reduce_sum3A_540[0, 0, 0] : f32 from vector<1x1x1xf32>
    %mul3A_542 = arith.constant 0.001953125 : f32
    %mul3A_543 = arith.mulf %reduce_sum3A_541, %mul3A_542 : f32
    %eq3A_544 = arith.constant 4 : i32
    %eq3A_545 = vector.broadcast %eq3A_544 : i32 to vector<1x8xi32>
    %eq3A_546 = arith.cmpi eq, %iota3A_289, %eq3A_545 : vector<1x8xi32>
    %jit3A_547 = arith.constant 0.000000e+00 : f32
    %broadcast_in_dim3A_548 = vector.broadcast %jit3A_547 : f32 to vector<1x8xf32>
    %select_n3A_549 = arith.select %eq3A_546, %sub3A_279, %broadcast_in_dim3A_548 : vector<1x8xi1>, vector<1x8xf32>
    %reduce_sum3A_550 = vector.shape_cast %select_n3A_549 : vector<1x8xf32> to vector<1x1x8xf32>
    %reduce_sum3A_551 = arith.constant dense<0.000000e+00> : vector<1xf32>
    %reduce_sum3A_552 = vector.multi_reduction <add>, %reduce_sum3A_550, %reduce_sum3A_551 [1, 2] : vector<1x1x8xf32> to vector<1xf32>
    %reduce_sum3A_553 = vector.shape_cast %reduce_sum3A_552 : vector<1xf32> to vector<1x1x1xf32>
    %reduce_sum3A_554 = vector.extract %reduce_sum3A_553[0, 0, 0] : f32 from vector<1x1x1xf32>
    %mul3A_555 = arith.constant 0.001953125 : f32
    %mul3A_556 = arith.mulf %reduce_sum3A_554, %mul3A_555 : f32
    %eq3A_557 = arith.constant 5 : i32
    %eq3A_558 = vector.broadcast %eq3A_557 : i32 to vector<1x8xi32>
    %eq3A_559 = arith.cmpi eq, %iota3A_289, %eq3A_558 : vector<1x8xi32>
    %jit3A_560 = arith.constant 0.000000e+00 : f32
    %broadcast_in_dim3A_561 = vector.broadcast %jit3A_560 : f32 to vector<1x8xf32>
    %select_n3A_562 = arith.select %eq3A_559, %sub3A_279, %broadcast_in_dim3A_561 : vector<1x8xi1>, vector<1x8xf32>
    %reduce_sum3A_563 = vector.shape_cast %select_n3A_562 : vector<1x8xf32> to vector<1x1x8xf32>
    %reduce_sum3A_564 = arith.constant dense<0.000000e+00> : vector<1xf32>
    %reduce_sum3A_565 = vector.multi_reduction <add>, %reduce_sum3A_563, %reduce_sum3A_564 [1, 2] : vector<1x1x8xf32> to vector<1xf32>
    %reduce_sum3A_566 = vector.shape_cast %reduce_sum3A_565 : vector<1xf32> to vector<1x1x1xf32>
    %reduce_sum3A_567 = vector.extract %reduce_sum3A_566[0, 0, 0] : f32 from vector<1x1x1xf32>
    %mul3A_568 = arith.constant 0.001953125 : f32
    %mul3A_569 = arith.mulf %reduce_sum3A_567, %mul3A_568 : f32
    %reduce_sum3A_570 = vector.shape_cast %ceil3A : vector<1x8xf32> to vector<1x1x8xf32>
    %reduce_sum3A_571 = arith.constant dense<0.000000e+00> : vector<1xf32>
    %reduce_sum3A_572 = vector.multi_reduction <add>, %reduce_sum3A_570, %reduce_sum3A_571 [1, 2] : vector<1x1x8xf32> to vector<1xf32>
    %reduce_sum3A_573 = vector.shape_cast %reduce_sum3A_572 : vector<1xf32> to vector<1x1x1xf32>
    %reduce_sum3A_574 = vector.extract %reduce_sum3A_573[0, 0, 0] : f32 from vector<1x1x1xf32>
    %iota3A_575 = tpu.iota {dimensions = array<i32: 1>} : vector<1x16xi32>
    %convert_element_type3A_576 = arith.sitofp %iota3A_575 : vector<1x16xi32> to vector<1x16xf32>
    %sub3A_577 = arith.constant 1.000000e+00 : f32
    %sub3A_578 = arith.subf %reduce_sum3A_574, %sub3A_577 : f32
    %min3A = vector.broadcast %sub3A_578 : f32 to vector<1x16xf32>
    %min3A_579 = arith.minimumf %convert_element_type3A_576, %min3A : vector<1x16xf32>
    %broadcast_in_dim3A_580 = arith.constant 0.000000e+00 : f32
    %broadcast_in_dim3A_581 = vector.broadcast %broadcast_in_dim3A_580 : f32 to vector<1x16xf32>
    %ge3A_582 = vector.broadcast %reduce_sum3A_364 : f32 to vector<1x16xf32>
    %ge3A_583 = arith.cmpf oge, %min3A_579, %ge3A_582 : vector<1x16xf32>
    %jit3A_584 = arith.constant 1.000000e+00 : f32
    %jit3A_585 = arith.constant 0.000000e+00 : f32
    %broadcast_in_dim3A_586 = vector.broadcast %jit3A_584 : f32 to vector<1x16xf32>
    %broadcast_in_dim3A_587 = vector.broadcast %jit3A_585 : f32 to vector<1x16xf32>
    %select_n3A_588 = arith.select %ge3A_583, %broadcast_in_dim3A_586, %broadcast_in_dim3A_587 : vector<1x16xi1>, vector<1x16xf32>
    %add3A_589 = arith.addf %broadcast_in_dim3A_581, %select_n3A_588 : vector<1x16xf32>
    %ge3A_590 = vector.broadcast %reduce_sum3A_375 : f32 to vector<1x16xf32>
    %ge3A_591 = arith.cmpf oge, %min3A_579, %ge3A_590 : vector<1x16xf32>
    %jit3A_592 = arith.constant 1.000000e+00 : f32
    %jit3A_593 = arith.constant 0.000000e+00 : f32
    %broadcast_in_dim3A_594 = vector.broadcast %jit3A_592 : f32 to vector<1x16xf32>
    %broadcast_in_dim3A_595 = vector.broadcast %jit3A_593 : f32 to vector<1x16xf32>
    %select_n3A_596 = arith.select %ge3A_591, %broadcast_in_dim3A_594, %broadcast_in_dim3A_595 : vector<1x16xi1>, vector<1x16xf32>
    %add3A_597 = arith.addf %add3A_589, %select_n3A_596 : vector<1x16xf32>
    %ge3A_598 = vector.broadcast %reduce_sum3A_386 : f32 to vector<1x16xf32>
    %ge3A_599 = arith.cmpf oge, %min3A_579, %ge3A_598 : vector<1x16xf32>
    %jit3A_600 = arith.constant 1.000000e+00 : f32
    %jit3A_601 = arith.constant 0.000000e+00 : f32
    %broadcast_in_dim3A_602 = vector.broadcast %jit3A_600 : f32 to vector<1x16xf32>
    %broadcast_in_dim3A_603 = vector.broadcast %jit3A_601 : f32 to vector<1x16xf32>
    %select_n3A_604 = arith.select %ge3A_599, %broadcast_in_dim3A_602, %broadcast_in_dim3A_603 : vector<1x16xi1>, vector<1x16xf32>
    %add3A_605 = arith.addf %add3A_597, %select_n3A_604 : vector<1x16xf32>
    %ge3A_606 = vector.broadcast %reduce_sum3A_397 : f32 to vector<1x16xf32>
    %ge3A_607 = arith.cmpf oge, %min3A_579, %ge3A_606 : vector<1x16xf32>
    %jit3A_608 = arith.constant 1.000000e+00 : f32
    %jit3A_609 = arith.constant 0.000000e+00 : f32
    %broadcast_in_dim3A_610 = vector.broadcast %jit3A_608 : f32 to vector<1x16xf32>
    %broadcast_in_dim3A_611 = vector.broadcast %jit3A_609 : f32 to vector<1x16xf32>
    %select_n3A_612 = arith.select %ge3A_607, %broadcast_in_dim3A_610, %broadcast_in_dim3A_611 : vector<1x16xi1>, vector<1x16xf32>
    %add3A_613 = arith.addf %add3A_605, %select_n3A_612 : vector<1x16xf32>
    %ge3A_614 = vector.broadcast %reduce_sum3A_408 : f32 to vector<1x16xf32>
    %ge3A_615 = arith.cmpf oge, %min3A_579, %ge3A_614 : vector<1x16xf32>
    %jit3A_616 = arith.constant 1.000000e+00 : f32
    %jit3A_617 = arith.constant 0.000000e+00 : f32
    %broadcast_in_dim3A_618 = vector.broadcast %jit3A_616 : f32 to vector<1x16xf32>
    %broadcast_in_dim3A_619 = vector.broadcast %jit3A_617 : f32 to vector<1x16xf32>
    %select_n3A_620 = arith.select %ge3A_615, %broadcast_in_dim3A_618, %broadcast_in_dim3A_619 : vector<1x16xi1>, vector<1x16xf32>
    %add3A_621 = arith.addf %add3A_613, %select_n3A_620 : vector<1x16xf32>
    %ge3A_622 = vector.broadcast %reduce_sum3A_419 : f32 to vector<1x16xf32>
    %ge3A_623 = arith.cmpf oge, %min3A_579, %ge3A_622 : vector<1x16xf32>
    %jit3A_624 = arith.constant 1.000000e+00 : f32
    %jit3A_625 = arith.constant 0.000000e+00 : f32
    %broadcast_in_dim3A_626 = vector.broadcast %jit3A_624 : f32 to vector<1x16xf32>
    %broadcast_in_dim3A_627 = vector.broadcast %jit3A_625 : f32 to vector<1x16xf32>
    %select_n3A_628 = arith.select %ge3A_623, %broadcast_in_dim3A_626, %broadcast_in_dim3A_627 : vector<1x16xi1>, vector<1x16xf32>
    %add3A_629 = arith.addf %add3A_621, %select_n3A_628 : vector<1x16xf32>
    %broadcast_in_dim3A_630 = arith.constant 0.000000e+00 : f32
    %broadcast_in_dim3A_631 = vector.broadcast %broadcast_in_dim3A_630 : f32 to vector<1x16xf32>
    %eq3A_632 = arith.constant 0.000000e+00 : f32
    %eq3A_633 = vector.broadcast %eq3A_632 : f32 to vector<1x16xf32>
    %eq3A_634 = arith.cmpf oeq, %add3A_629, %eq3A_633 : vector<1x16xf32>
    %jit3A_635 = arith.constant 0.000000e+00 : f32
    %broadcast_in_dim3A_636 = vector.broadcast %reduce_sum3A_431 : f32 to vector<1x16xf32>
    %broadcast_in_dim3A_637 = vector.broadcast %jit3A_635 : f32 to vector<1x16xf32>
    %select_n3A_638 = arith.select %eq3A_634, %broadcast_in_dim3A_636, %broadcast_in_dim3A_637 : vector<1x16xi1>, vector<1x16xf32>
    %sub3A_639 = arith.subf %min3A_579, %select_n3A_638 : vector<1x16xf32>
    %jit3A_640 = arith.constant 0.000000e+00 : f32
    %broadcast_in_dim3A_641 = vector.broadcast %mul3A_504 : f32 to vector<1x16xf32>
    %broadcast_in_dim3A_642 = vector.broadcast %jit3A_640 : f32 to vector<1x16xf32>
    %select_n3A_643 = arith.select %eq3A_634, %broadcast_in_dim3A_641, %broadcast_in_dim3A_642 : vector<1x16xi1>, vector<1x16xf32>
    %add3A_644 = arith.addf %broadcast_in_dim3A_631, %select_n3A_643 : vector<1x16xf32>
    %eq3A_645 = arith.constant 1.000000e+00 : f32
    %eq3A_646 = vector.broadcast %eq3A_645 : f32 to vector<1x16xf32>
    %eq3A_647 = arith.cmpf oeq, %add3A_629, %eq3A_646 : vector<1x16xf32>
    %jit3A_648 = arith.constant 0.000000e+00 : f32
    %broadcast_in_dim3A_649 = vector.broadcast %reduce_sum3A_443 : f32 to vector<1x16xf32>
    %broadcast_in_dim3A_650 = vector.broadcast %jit3A_648 : f32 to vector<1x16xf32>
    %select_n3A_651 = arith.select %eq3A_647, %broadcast_in_dim3A_649, %broadcast_in_dim3A_650 : vector<1x16xi1>, vector<1x16xf32>
    %sub3A_652 = arith.subf %sub3A_639, %select_n3A_651 : vector<1x16xf32>
    %jit3A_653 = arith.constant 0.000000e+00 : f32
    %broadcast_in_dim3A_654 = vector.broadcast %mul3A_517 : f32 to vector<1x16xf32>
    %broadcast_in_dim3A_655 = vector.broadcast %jit3A_653 : f32 to vector<1x16xf32>
    %select_n3A_656 = arith.select %eq3A_647, %broadcast_in_dim3A_654, %broadcast_in_dim3A_655 : vector<1x16xi1>, vector<1x16xf32>
    %add3A_657 = arith.addf %add3A_644, %select_n3A_656 : vector<1x16xf32>
    %eq3A_658 = arith.constant 2.000000e+00 : f32
    %eq3A_659 = vector.broadcast %eq3A_658 : f32 to vector<1x16xf32>
    %eq3A_660 = arith.cmpf oeq, %add3A_629, %eq3A_659 : vector<1x16xf32>
    %jit3A_661 = arith.constant 0.000000e+00 : f32
    %broadcast_in_dim3A_662 = vector.broadcast %reduce_sum3A_455 : f32 to vector<1x16xf32>
    %broadcast_in_dim3A_663 = vector.broadcast %jit3A_661 : f32 to vector<1x16xf32>
    %select_n3A_664 = arith.select %eq3A_660, %broadcast_in_dim3A_662, %broadcast_in_dim3A_663 : vector<1x16xi1>, vector<1x16xf32>
    %sub3A_665 = arith.subf %sub3A_652, %select_n3A_664 : vector<1x16xf32>
    %jit3A_666 = arith.constant 0.000000e+00 : f32
    %broadcast_in_dim3A_667 = vector.broadcast %mul3A_530 : f32 to vector<1x16xf32>
    %broadcast_in_dim3A_668 = vector.broadcast %jit3A_666 : f32 to vector<1x16xf32>
    %select_n3A_669 = arith.select %eq3A_660, %broadcast_in_dim3A_667, %broadcast_in_dim3A_668 : vector<1x16xi1>, vector<1x16xf32>
    %add3A_670 = arith.addf %add3A_657, %select_n3A_669 : vector<1x16xf32>
    %eq3A_671 = arith.constant 3.000000e+00 : f32
    %eq3A_672 = vector.broadcast %eq3A_671 : f32 to vector<1x16xf32>
    %eq3A_673 = arith.cmpf oeq, %add3A_629, %eq3A_672 : vector<1x16xf32>
    %jit3A_674 = arith.constant 0.000000e+00 : f32
    %broadcast_in_dim3A_675 = vector.broadcast %reduce_sum3A_467 : f32 to vector<1x16xf32>
    %broadcast_in_dim3A_676 = vector.broadcast %jit3A_674 : f32 to vector<1x16xf32>
    %select_n3A_677 = arith.select %eq3A_673, %broadcast_in_dim3A_675, %broadcast_in_dim3A_676 : vector<1x16xi1>, vector<1x16xf32>
    %sub3A_678 = arith.subf %sub3A_665, %select_n3A_677 : vector<1x16xf32>
    %jit3A_679 = arith.constant 0.000000e+00 : f32
    %broadcast_in_dim3A_680 = vector.broadcast %mul3A_543 : f32 to vector<1x16xf32>
    %broadcast_in_dim3A_681 = vector.broadcast %jit3A_679 : f32 to vector<1x16xf32>
    %select_n3A_682 = arith.select %eq3A_673, %broadcast_in_dim3A_680, %broadcast_in_dim3A_681 : vector<1x16xi1>, vector<1x16xf32>
    %add3A_683 = arith.addf %add3A_670, %select_n3A_682 : vector<1x16xf32>
    %eq3A_684 = arith.constant 4.000000e+00 : f32
    %eq3A_685 = vector.broadcast %eq3A_684 : f32 to vector<1x16xf32>
    %eq3A_686 = arith.cmpf oeq, %add3A_629, %eq3A_685 : vector<1x16xf32>
    %jit3A_687 = arith.constant 0.000000e+00 : f32
    %broadcast_in_dim3A_688 = vector.broadcast %reduce_sum3A_479 : f32 to vector<1x16xf32>
    %broadcast_in_dim3A_689 = vector.broadcast %jit3A_687 : f32 to vector<1x16xf32>
    %select_n3A_690 = arith.select %eq3A_686, %broadcast_in_dim3A_688, %broadcast_in_dim3A_689 : vector<1x16xi1>, vector<1x16xf32>
    %sub3A_691 = arith.subf %sub3A_678, %select_n3A_690 : vector<1x16xf32>
    %jit3A_692 = arith.constant 0.000000e+00 : f32
    %broadcast_in_dim3A_693 = vector.broadcast %mul3A_556 : f32 to vector<1x16xf32>
    %broadcast_in_dim3A_694 = vector.broadcast %jit3A_692 : f32 to vector<1x16xf32>
    %select_n3A_695 = arith.select %eq3A_686, %broadcast_in_dim3A_693, %broadcast_in_dim3A_694 : vector<1x16xi1>, vector<1x16xf32>
    %add3A_696 = arith.addf %add3A_683, %select_n3A_695 : vector<1x16xf32>
    %eq3A_697 = arith.constant 5.000000e+00 : f32
    %eq3A_698 = vector.broadcast %eq3A_697 : f32 to vector<1x16xf32>
    %eq3A_699 = arith.cmpf oeq, %add3A_629, %eq3A_698 : vector<1x16xf32>
    %jit3A_700 = arith.constant 0.000000e+00 : f32
    %broadcast_in_dim3A_701 = vector.broadcast %reduce_sum3A_491 : f32 to vector<1x16xf32>
    %broadcast_in_dim3A_702 = vector.broadcast %jit3A_700 : f32 to vector<1x16xf32>
    %select_n3A_703 = arith.select %eq3A_699, %broadcast_in_dim3A_701, %broadcast_in_dim3A_702 : vector<1x16xi1>, vector<1x16xf32>
    %sub3A_704 = arith.subf %sub3A_691, %select_n3A_703 : vector<1x16xf32>
    %jit3A_705 = arith.constant 0.000000e+00 : f32
    %broadcast_in_dim3A_706 = vector.broadcast %mul3A_569 : f32 to vector<1x16xf32>
    %broadcast_in_dim3A_707 = vector.broadcast %jit3A_705 : f32 to vector<1x16xf32>
    %select_n3A_708 = arith.select %eq3A_699, %broadcast_in_dim3A_706, %broadcast_in_dim3A_707 : vector<1x16xi1>, vector<1x16xf32>
    %add3A_709 = arith.addf %add3A_696, %select_n3A_708 : vector<1x16xf32>
    %add3A_710 = arith.addf %add3A_709, %sub3A_704 : vector<1x16xf32>
    %lt3A_711 = vector.broadcast %reduce_sum3A_574 : f32 to vector<1x16xf32>
    %lt3A_712 = arith.cmpf olt, %convert_element_type3A_576, %lt3A_711 : vector<1x16xf32>
    %jit3A_713 = arith.constant 1.000000e+00 : f32
    %jit3A_714 = arith.constant 0.000000e+00 : f32
    %broadcast_in_dim3A_715 = vector.broadcast %jit3A_713 : f32 to vector<1x16xf32>
    %broadcast_in_dim3A_716 = vector.broadcast %jit3A_714 : f32 to vector<1x16xf32>
    %select_n3A_717 = arith.select %lt3A_712, %broadcast_in_dim3A_715, %broadcast_in_dim3A_716 : vector<1x16xi1>, vector<1x16xf32>
    %concatenate3A_718 = tpu.concatenate %add3A_629, %add3A_710, %select_n3A_717 in 0 : vector<1x16xf32>, vector<1x16xf32>, vector<1x16xf32> -> vector<3x16xf32>
    %convert_element_type3A_719 = arith.fptosi %concatenate3A_718 : vector<3x16xf32> to vector<3x16xi32>
    %swap3A_720 = arith.constant 0 : index
    %swap3A_721 = arith.constant 0 : index
    %swap3A_722 = vector.load %arg4[%swap3A_720, %swap3A_721] : memref<3x16xi32, #tpu.memory_space<vmem>>, vector<3x16xi32>
    tpu.vector_store %arg4[%swap3A_720, %swap3A_721], %convert_element_type3A_719 {strides = array<i32>} : memref<3x16xi32, #tpu.memory_space<vmem>>, vector<3x16xi32>,
    %broadcast_in_dim3A_723 = vector.broadcast %reduce_sum3A_353 : f32 to vector<8x128xf32>
    %swap3A_724 = arith.constant 0 : index
    %swap3A_725 = arith.constant 0 : index
    %swap3A_726 = vector.load %arg5[%swap3A_724, %swap3A_725] : memref<8x128xf32, #tpu.memory_space<vmem>>, vector<8x128xf32>
    tpu.vector_store %arg5[%swap3A_724, %swap3A_725], %broadcast_in_dim3A_723 {strides = array<i32>} : memref<8x128xf32, #tpu.memory_space<vmem>>, vector<8x128xf32>,
    return
  }
}

module attributes {stable_mosaic.version = 14 : i64} {
  func.func @_ffn_body(%arg0: i32, %arg1: i32, %arg2: memref<9xi32, #tpu.memory_space<smem>>, %arg3: memref<9xi32, #tpu.memory_space<smem>>, %arg4: memref<9xi32, #tpu.memory_space<smem>>, %arg5: memref<512x1024xf32, #tpu.memory_space<vmem>>, %arg6: memref<1x1x1024x1024xf32, #tpu.memory_space<vmem>>, %arg7: memref<1x1x1024xf32, #tpu.memory_space<vmem>>, %arg8: memref<1x1x1024x1024xf32, #tpu.memory_space<vmem>>, %arg9: memref<1x1x1024xf32, #tpu.memory_space<vmem>>, %arg10: memref<1x1x1024x1024xf32, #tpu.memory_space<vmem>>, %arg11: memref<1x1x1024xf32, #tpu.memory_space<vmem>>, %arg12: memref<512x1024xf32, #tpu.memory_space<vmem>>) attributes {dimension_semantics = [#tpu.dimension_semantics<arbitrary>, #tpu.dimension_semantics<arbitrary>], iteration_bounds = array<i64: 9, 4>, scalar_prefetch = 3 : i64, scratch_operands = 0 : i64, tpu.core_type = #tpu.core_type<tc>, window_params = [{transform_indices = @transform_0, window_bounds = array<i64: 512, 1024>}, {transform_indices = @transform_1, window_bounds = array<i64: 1, 1, 1024, 1024>}, {transform_indices = @transform_2, window_bounds = array<i64: 1, 1, 1024>}, {transform_indices = @transform_3, window_bounds = array<i64: 1, 1, 1024, 1024>}, {transform_indices = @transform_4, window_bounds = array<i64: 1, 1, 1024>}, {transform_indices = @transform_5, window_bounds = array<i64: 1, 1, 1024, 1024>}, {transform_indices = @transform_6, window_bounds = array<i64: 1, 1, 1024>}, {transform_indices = @transform_7, window_bounds = array<i64: 512, 1024>}]} {
    %get3A = arith.index_cast %arg0 : i32 to index
    %get3A_0 = memref.load %arg4[%get3A] : memref<9xi32, #tpu.memory_space<smem>>
    %eq3A = arith.constant 1 : i32
    %eq3A_1 = arith.cmpi eq, %get3A_0, %eq3A : i32
    %convert_element_type3A = arith.extui %eq3A_1 : i1 to i32
    %cond3A = arith.constant 0 : i32
    %cond3A_2 = arith.cmpi ne, %convert_element_type3A, %cond3A : i32
    scf.if %cond3A_2 {
      %get3A_3 = arith.constant 0 : index
      %get3A_4 = arith.constant 0 : index
      %get3A_5 = vector.load %arg5[%get3A_3, %get3A_4] : memref<512x1024xf32, #tpu.memory_space<vmem>>, vector<512x1024xf32>
      %get3A_6 = arith.constant 0 : index
      %get3A_7 = arith.constant 0 : index
      %get3A_8 = arith.constant 0 : index
      %get3A_9 = arith.constant 0 : index
      %get3A_10 = vector.load %arg6[%get3A_6, %get3A_7, %get3A_8, %get3A_9] : memref<1x1x1024x1024xf32, #tpu.memory_space<vmem>>, vector<1x1x1024x1024xf32>
      %get3A_11 = vector.shape_cast %get3A_10 : vector<1x1x1024x1024xf32> to vector<1024x1024xf32>
      %dot_general3A = arith.constant dense<0.000000e+00> : vector<512x1024xf32>
      %dot_general3A_12 = tpu.matmul %get3A_5, %get3A_11, %dot_general3A {dimension_numbers = #tpu.dot_dimension_numbers<[1], [0], [0], [1], [0, 0, 1, 1], [], []>, transpose_lhs_hint = false} : vector<512x1024xf32>, vector<1024x1024xf32>, vector<512x1024xf32> -> vector<512x1024xf32>
      %get3A_13 = arith.constant 0 : index
      %get3A_14 = arith.constant 0 : index
      %get3A_15 = arith.constant 0 : index
      %get3A_16 = vector.load %arg7[%get3A_13, %get3A_14, %get3A_15] : memref<1x1x1024xf32, #tpu.memory_space<vmem>>, vector<1x1x1024xf32>
      %get3A_17 = vector.shape_cast %get3A_16 : vector<1x1x1024xf32> to vector<1024xf32>
      %broadcast_in_dim3A = vector.shape_cast %get3A_17 : vector<1024xf32> to vector<1x1024xf32>
      %add3A = vector.broadcast %broadcast_in_dim3A : vector<1x1024xf32> to vector<512x1024xf32>
      %add3A_18 = arith.addf %dot_general3A_12, %add3A : vector<512x1024xf32>
      %max3A = arith.constant 0.000000e+00 : f32
      %max3A_19 = vector.broadcast %max3A : f32 to vector<512x1024xf32>
      %max3A_20 = arith.maximumf %add3A_18, %max3A_19 : vector<512x1024xf32>
      %get3A_21 = arith.constant 0 : index
      %get3A_22 = arith.constant 0 : index
      %get3A_23 = arith.constant 0 : index
      %get3A_24 = arith.constant 0 : index
      %get3A_25 = vector.load %arg8[%get3A_21, %get3A_22, %get3A_23, %get3A_24] : memref<1x1x1024x1024xf32, #tpu.memory_space<vmem>>, vector<1x1x1024x1024xf32>
      %get3A_26 = vector.shape_cast %get3A_25 : vector<1x1x1024x1024xf32> to vector<1024x1024xf32>
      %dot_general3A_27 = arith.constant dense<0.000000e+00> : vector<512x1024xf32>
      %dot_general3A_28 = tpu.matmul %max3A_20, %get3A_26, %dot_general3A_27 {dimension_numbers = #tpu.dot_dimension_numbers<[1], [0], [0], [1], [0, 0, 1, 1], [], []>, transpose_lhs_hint = false} : vector<512x1024xf32>, vector<1024x1024xf32>, vector<512x1024xf32> -> vector<512x1024xf32>
      %get3A_29 = arith.constant 0 : index
      %get3A_30 = arith.constant 0 : index
      %get3A_31 = arith.constant 0 : index
      %get3A_32 = vector.load %arg9[%get3A_29, %get3A_30, %get3A_31] : memref<1x1x1024xf32, #tpu.memory_space<vmem>>, vector<1x1x1024xf32>
      %get3A_33 = vector.shape_cast %get3A_32 : vector<1x1x1024xf32> to vector<1024xf32>
      %broadcast_in_dim3A_34 = vector.shape_cast %get3A_33 : vector<1024xf32> to vector<1x1024xf32>
      %add3A_35 = vector.broadcast %broadcast_in_dim3A_34 : vector<1x1024xf32> to vector<512x1024xf32>
      %add3A_36 = arith.addf %dot_general3A_28, %add3A_35 : vector<512x1024xf32>
      %add3A_37 = arith.addf %add3A_36, %get3A_5 : vector<512x1024xf32>
      %max3A_38 = arith.constant 0.000000e+00 : f32
      %max3A_39 = vector.broadcast %max3A_38 : f32 to vector<512x1024xf32>
      %max3A_40 = arith.maximumf %add3A_37, %max3A_39 : vector<512x1024xf32>
      %get3A_41 = arith.constant 0 : index
      %get3A_42 = arith.constant 0 : index
      %get3A_43 = arith.constant 0 : index
      %get3A_44 = arith.constant 0 : index
      %get3A_45 = vector.load %arg10[%get3A_41, %get3A_42, %get3A_43, %get3A_44] : memref<1x1x1024x1024xf32, #tpu.memory_space<vmem>>, vector<1x1x1024x1024xf32>
      %get3A_46 = vector.shape_cast %get3A_45 : vector<1x1x1024x1024xf32> to vector<1024x1024xf32>
      %dot_general3A_47 = arith.constant dense<0.000000e+00> : vector<512x1024xf32>
      %dot_general3A_48 = tpu.matmul %max3A_40, %get3A_46, %dot_general3A_47 {dimension_numbers = #tpu.dot_dimension_numbers<[1], [0], [0], [1], [0, 0, 1, 1], [], []>, transpose_lhs_hint = false} : vector<512x1024xf32>, vector<1024x1024xf32>, vector<512x1024xf32> -> vector<512x1024xf32>
      %get3A_49 = arith.constant 0 : index
      %get3A_50 = arith.constant 0 : index
      %get3A_51 = arith.constant 0 : index
      %get3A_52 = vector.load %arg11[%get3A_49, %get3A_50, %get3A_51] : memref<1x1x1024xf32, #tpu.memory_space<vmem>>, vector<1x1x1024xf32>
      %get3A_53 = vector.shape_cast %get3A_52 : vector<1x1x1024xf32> to vector<1024xf32>
      %broadcast_in_dim3A_54 = vector.shape_cast %get3A_53 : vector<1024xf32> to vector<1x1024xf32>
      %add3A_55 = vector.broadcast %broadcast_in_dim3A_54 : vector<1x1024xf32> to vector<512x1024xf32>
      %add3A_56 = arith.addf %dot_general3A_48, %add3A_55 : vector<512x1024xf32>
      %mul3A = arith.constant 2.500000e-01 : f32
      %mul3A_57 = vector.broadcast %mul3A : f32 to vector<512x1024xf32>
      %mul3A_58 = arith.mulf %add3A_56, %mul3A_57 : vector<512x1024xf32>
      %eq3A_59 = arith.constant 0 : i32
      %eq3A_60 = arith.cmpi eq, %arg1, %eq3A_59 : i32
      %convert_element_type3A_61 = arith.extui %eq3A_60 : i1 to i32
      %cond3A_62 = arith.constant 0 : i32
      %cond3A_63 = arith.cmpi ne, %convert_element_type3A_61, %cond3A_62 : i32
      scf.if %cond3A_63 {
        %swap3A = arith.constant 0 : index
        %swap3A_68 = arith.constant 0 : index
        %swap3A_69 = vector.load %arg12[%swap3A, %swap3A_68] : memref<512x1024xf32, #tpu.memory_space<vmem>>, vector<512x1024xf32>
        tpu.vector_store %arg12[%swap3A, %swap3A_68], %mul3A_58 {strides = array<i32>} : memref<512x1024xf32, #tpu.memory_space<vmem>>, vector<512x1024xf32>,
      } else {
      }
      %gt3A = arith.constant 0 : i32
      %gt3A_64 = arith.cmpi sgt, %arg1, %gt3A : i32
      %convert_element_type3A_65 = arith.extui %gt3A_64 : i1 to i32
      %cond3A_66 = arith.constant 0 : i32
      %cond3A_67 = arith.cmpi ne, %convert_element_type3A_65, %cond3A_66 : i32
      scf.if %cond3A_67 {
        %get3A_68 = arith.constant 0 : index
        %get3A_69 = arith.constant 0 : index
        %get3A_70 = vector.load %arg12[%get3A_68, %get3A_69] : memref<512x1024xf32, #tpu.memory_space<vmem>>, vector<512x1024xf32>
        %add3A_71 = arith.addf %get3A_70, %mul3A_58 : vector<512x1024xf32>
        %swap3A = arith.constant 0 : index
        %swap3A_72 = arith.constant 0 : index
        %swap3A_73 = vector.load %arg12[%swap3A, %swap3A_72] : memref<512x1024xf32, #tpu.memory_space<vmem>>, vector<512x1024xf32>
        tpu.vector_store %arg12[%swap3A, %swap3A_72], %add3A_71 {strides = array<i32>} : memref<512x1024xf32, #tpu.memory_space<vmem>>, vector<512x1024xf32>,
      } else {
      }
    } else {
    }
    return
  }
  func.func @transform_0(%arg0: i32, %arg1: i32, %arg2: memref<9xi32, #tpu.memory_space<smem>>, %arg3: memref<9xi32, #tpu.memory_space<smem>>, %arg4: memref<9xi32, #tpu.memory_space<smem>>) -> (i32, i32) {
    %get3A = arith.index_cast %arg0 : i32 to index
    %get3A_0 = memref.load %arg3[%get3A] : memref<9xi32, #tpu.memory_space<smem>>
    %c0_i32 = arith.constant 0 : i32
    %c0_i32_1 = arith.constant 0 : i32
    return %get3A_0, %c0_i32 : i32, i32
  }
  func.func @transform_1(%arg0: i32, %arg1: i32, %arg2: memref<9xi32, #tpu.memory_space<smem>>, %arg3: memref<9xi32, #tpu.memory_space<smem>>, %arg4: memref<9xi32, #tpu.memory_space<smem>>) -> (i32, i32, i32, i32) {
    %get3A = arith.index_cast %arg0 : i32 to index
    %get3A_0 = memref.load %arg2[%get3A] : memref<9xi32, #tpu.memory_space<smem>>
    %get3A_1 = arith.index_cast %arg0 : i32 to index
    %get3A_2 = memref.load %arg4[%get3A_1] : memref<9xi32, #tpu.memory_space<smem>>
    %eq3A = arith.constant 1 : i32
    %eq3A_3 = arith.cmpi eq, %get3A_2, %eq3A : i32
    %jit3A = arith.constant 3 : i32
    %select_n3A = arith.select %eq3A_3, %arg1, %jit3A : i32
    %c0_i32 = arith.constant 0 : i32
    %c0_i32_4 = arith.constant 0 : i32
    %c0_i32_5 = arith.constant 0 : i32
    return %get3A_0, %select_n3A, %c0_i32, %c0_i32_4 : i32, i32, i32, i32
  }
  func.func @transform_2(%arg0: i32, %arg1: i32, %arg2: memref<9xi32, #tpu.memory_space<smem>>, %arg3: memref<9xi32, #tpu.memory_space<smem>>, %arg4: memref<9xi32, #tpu.memory_space<smem>>) -> (i32, i32, i32) {
    %get3A = arith.index_cast %arg0 : i32 to index
    %get3A_0 = memref.load %arg2[%get3A] : memref<9xi32, #tpu.memory_space<smem>>
    %mul3A = arith.constant 4 : i32
    %mul3A_1 = arith.muli %get3A_0, %mul3A : i32
    %get3A_2 = arith.index_cast %arg0 : i32 to index
    %get3A_3 = memref.load %arg4[%get3A_2] : memref<9xi32, #tpu.memory_space<smem>>
    %eq3A = arith.constant 1 : i32
    %eq3A_4 = arith.cmpi eq, %get3A_3, %eq3A : i32
    %jit3A = arith.constant 3 : i32
    %select_n3A = arith.select %eq3A_4, %arg1, %jit3A : i32
    %add3A = arith.addi %mul3A_1, %select_n3A : i32
    %c0_i32 = arith.constant 0 : i32
    %c0_i32_5 = arith.constant 0 : i32
    %c0_i32_6 = arith.constant 0 : i32
    return %add3A, %c0_i32, %c0_i32_5 : i32, i32, i32
  }
  func.func @transform_3(%arg0: i32, %arg1: i32, %arg2: memref<9xi32, #tpu.memory_space<smem>>, %arg3: memref<9xi32, #tpu.memory_space<smem>>, %arg4: memref<9xi32, #tpu.memory_space<smem>>) -> (i32, i32, i32, i32) {
    %get3A = arith.index_cast %arg0 : i32 to index
    %get3A_0 = memref.load %arg2[%get3A] : memref<9xi32, #tpu.memory_space<smem>>
    %get3A_1 = arith.index_cast %arg0 : i32 to index
    %get3A_2 = memref.load %arg4[%get3A_1] : memref<9xi32, #tpu.memory_space<smem>>
    %eq3A = arith.constant 1 : i32
    %eq3A_3 = arith.cmpi eq, %get3A_2, %eq3A : i32
    %jit3A = arith.constant 3 : i32
    %select_n3A = arith.select %eq3A_3, %arg1, %jit3A : i32
    %c0_i32 = arith.constant 0 : i32
    %c0_i32_4 = arith.constant 0 : i32
    %c0_i32_5 = arith.constant 0 : i32
    return %get3A_0, %select_n3A, %c0_i32, %c0_i32_4 : i32, i32, i32, i32
  }
  func.func @transform_4(%arg0: i32, %arg1: i32, %arg2: memref<9xi32, #tpu.memory_space<smem>>, %arg3: memref<9xi32, #tpu.memory_space<smem>>, %arg4: memref<9xi32, #tpu.memory_space<smem>>) -> (i32, i32, i32) {
    %get3A = arith.index_cast %arg0 : i32 to index
    %get3A_0 = memref.load %arg2[%get3A] : memref<9xi32, #tpu.memory_space<smem>>
    %mul3A = arith.constant 4 : i32
    %mul3A_1 = arith.muli %get3A_0, %mul3A : i32
    %get3A_2 = arith.index_cast %arg0 : i32 to index
    %get3A_3 = memref.load %arg4[%get3A_2] : memref<9xi32, #tpu.memory_space<smem>>
    %eq3A = arith.constant 1 : i32
    %eq3A_4 = arith.cmpi eq, %get3A_3, %eq3A : i32
    %jit3A = arith.constant 3 : i32
    %select_n3A = arith.select %eq3A_4, %arg1, %jit3A : i32
    %add3A = arith.addi %mul3A_1, %select_n3A : i32
    %c0_i32 = arith.constant 0 : i32
    %c0_i32_5 = arith.constant 0 : i32
    %c0_i32_6 = arith.constant 0 : i32
    return %add3A, %c0_i32, %c0_i32_5 : i32, i32, i32
  }
  func.func @transform_5(%arg0: i32, %arg1: i32, %arg2: memref<9xi32, #tpu.memory_space<smem>>, %arg3: memref<9xi32, #tpu.memory_space<smem>>, %arg4: memref<9xi32, #tpu.memory_space<smem>>) -> (i32, i32, i32, i32) {
    %get3A = arith.index_cast %arg0 : i32 to index
    %get3A_0 = memref.load %arg2[%get3A] : memref<9xi32, #tpu.memory_space<smem>>
    %get3A_1 = arith.index_cast %arg0 : i32 to index
    %get3A_2 = memref.load %arg4[%get3A_1] : memref<9xi32, #tpu.memory_space<smem>>
    %eq3A = arith.constant 1 : i32
    %eq3A_3 = arith.cmpi eq, %get3A_2, %eq3A : i32
    %jit3A = arith.constant 3 : i32
    %select_n3A = arith.select %eq3A_3, %arg1, %jit3A : i32
    %c0_i32 = arith.constant 0 : i32
    %c0_i32_4 = arith.constant 0 : i32
    %c0_i32_5 = arith.constant 0 : i32
    return %get3A_0, %select_n3A, %c0_i32, %c0_i32_4 : i32, i32, i32, i32
  }
  func.func @transform_6(%arg0: i32, %arg1: i32, %arg2: memref<9xi32, #tpu.memory_space<smem>>, %arg3: memref<9xi32, #tpu.memory_space<smem>>, %arg4: memref<9xi32, #tpu.memory_space<smem>>) -> (i32, i32, i32) {
    %get3A = arith.index_cast %arg0 : i32 to index
    %get3A_0 = memref.load %arg2[%get3A] : memref<9xi32, #tpu.memory_space<smem>>
    %mul3A = arith.constant 4 : i32
    %mul3A_1 = arith.muli %get3A_0, %mul3A : i32
    %get3A_2 = arith.index_cast %arg0 : i32 to index
    %get3A_3 = memref.load %arg4[%get3A_2] : memref<9xi32, #tpu.memory_space<smem>>
    %eq3A = arith.constant 1 : i32
    %eq3A_4 = arith.cmpi eq, %get3A_3, %eq3A : i32
    %jit3A = arith.constant 3 : i32
    %select_n3A = arith.select %eq3A_4, %arg1, %jit3A : i32
    %add3A = arith.addi %mul3A_1, %select_n3A : i32
    %c0_i32 = arith.constant 0 : i32
    %c0_i32_5 = arith.constant 0 : i32
    %c0_i32_6 = arith.constant 0 : i32
    return %add3A, %c0_i32, %c0_i32_5 : i32, i32, i32
  }
  func.func @transform_7(%arg0: i32, %arg1: i32, %arg2: memref<9xi32, #tpu.memory_space<smem>>, %arg3: memref<9xi32, #tpu.memory_space<smem>>, %arg4: memref<9xi32, #tpu.memory_space<smem>>) -> (i32, i32) {
    %get3A = arith.index_cast %arg0 : i32 to index
    %get3A_0 = memref.load %arg3[%get3A] : memref<9xi32, #tpu.memory_space<smem>>
    %c0_i32 = arith.constant 0 : i32
    %c0_i32_1 = arith.constant 0 : i32
    return %get3A_0, %c0_i32 : i32, i32
  }
}

</mosaic_0001>

<sc_bundles>
// kernel: kernel.6.cloned.1.call-start
scs
__scs_entry_jumppad:
0x0: {  	(pc) =	sbr.rel $0x88, $3  }
0x1: {  	(tag) =	ssettag $0x0;
	lr =	simm.s32 $0x1  }
0x2: {  	[smem:$0x3F96] =	sst lr;
	_ =	strace $0xD0000000  }
0x3: {  	_ = 	snop  }
0x4: {  	_ = 	snop  }
0x5: {  	_ = 	snop  }
0x6: {  	_ = 	snop  }
0x7: {  	_ = 	snop  }
__scs_overlays_trampoline_lowered:
0x8: {  	[smem:$0x3FA5] =	sst s0  }
0x9: {  	[smem:$0x3FA6] =	sst s1  }
0xa: {  	[smem:$0x3FA7] =	sst s2  }
0xb: {  	[smem:$0x3FA8] =	sst s3  }
0xc: {  	[smem:$0x3FA9] =	sst s4  }
0xd: {  	[smem:$0x3FAA] =	sst s5  }
0xe: {  	[smem:$0x3FAB] =	sst s6  }
0xf: {  	[smem:$0x3FAC] =	sst s7  }
0x10: {  	[smem:$0x3FAD] =	sst s8  }
0x11: {  	[smem:$0x3FAE] =	sst s9;
	s0 =	simm.s32 @!p0 $0x0  }
0x12: {  	s1 =	sld [smem:$0x3F94];
	s0 =	simm.s32 @p0 $0x1  }
0x13: {  	[smem:$0x3FAF] =	sst s0;
	s0 =	simm.s32 @!p1 $0x0  }
0x14: {  	s2 =	sld [smem:$0x3F93];
	s0 =	simm.s32 @p1 $0x1  }
0x15: {  	[smem:$0x3FB0] =	sst s0;
	s0 =	simm.s32 @!p2 $0x0  }
0x16: {  	s3 =	sld [smem:$0x3FDB];
	s0 =	simm.s32 @p2 $0x1  }
0x17: {  	s4 =	simm.s32 $0x1BF5;
	[smem:$0x3FB2] =	sst s0  }
0x18: {  	s0 =	sld [smem:$0x3F95];
	_ =	swait.ge [sflag:s4], $0x0  }
0x19: {  	s7 =	sld [smem:$0x3F96]  }
0x1a: {  	s8 =	sadd.s32 $0xFFFFE003, lr  }
0x1b: {  	s9 =	sadd.s32 $0xFFFFFEF7, lr;
	s5 =	simm.s32 $0xFFFFFFFF;
	p2 =	slt.u32 s8, $0xFFFFF086  }
0x1c: {  	p1 =	slt.u32 s9, $0xF7A;
	s5 =	simm.s32 @!p2 $0x0  }
0x1d: {  	s5 =	simm.s32 @p1 $0x1;
	p0 =	seq.s32 s7, s2  }
0x1e: {  	s7 =	smul.u32 @!p0 $0xF7A, s2;
	p2 =	seq.s32 @!p0 s5, $0x0  }
0x1f: {  	s9 =	smul.u32 $0xF7A, s1;
	s8 =	simm.s32 @!p0 $0x1BF5;
	p2 =	por !p2, p0  }
0x20: {  	[sflag:s8] =	ssyncset.s32 @!p0 $0xFFFFF086;
	s6 =	sadd.s32 @!p0 s3, s7;
	s7 =	simm.s32 @!p0 $0x108  }
0x21: {  	s3 =	sadd.s32 s3, s9;
	s6 =	sadd.s32 @!p0 $0x88, s6;
	s7 =	simm.s32 @p2 $0x1082  }
0x22: {  	[simem:s7], [sflag:s8] =	dma.local @!p0 [hbm:s6], $0xF7A  }
0x23: {  	s9 =	sor.u32 $0xD0000000, s2;
	s6 =	simm.s32 $0x108;
	_ =	swait.ge @!p0 [sflag:s8], $0x0  }
0x24: {  	s3 =	sadd.s32 $0x88, s3;
	s6 =	simm.s32 @!p1 $0x1082;
	[sflag:s4] =	ssyncset.s32 $0xFFFFF086  }
0x25: {  	[simem:s6], [sflag:s4] =	dma.local [hbm:s3], $0xF7A  }
0x26: {  	[smem:$0x3F96] =	sst s1;
	(tag) =	ssettag s2;
	_ =	strace s9  }
0x27: {  	s1 =	sld [smem:$0x3FA6]  }
0x28: {  	s2 =	sld [smem:$0x3FA7]  }
0x29: {  	s4 =	sld [smem:$0x3FA9]  }
0x2a: {  	p0 =	seq.s32 s5, $0x0;
	s5 =	sld [smem:$0x3FAA]  }
0x2b: {  	s6 =	sld [smem:$0x3FAB]  }
0x2c: {  	s7 =	sld [smem:$0x3FAC]  }
0x2d: {  	s3 =	simm.s32 $0x108;
	s8 =	sld [smem:$0x3FAD]  }
0x2e: {  	s3 =	simm.s32 @!p0 $0x1082;
	s9 =	sld [smem:$0x3FAE]  }
0x2f: {  	lr =	sadd.s32 s0, s3;
	s0 =	sld [smem:$0x3FA5]  }
0x30: {  	s3 =	sld [smem:$0x3FA8]  }
0x31: {  	[smem:$0x3FB1] =	sst s10  }
0x32: {  	s10 =	sld [smem:$0x3FAF];
	_ =	sdelay $0x3  }
0x33: {  	p0 =	seq.s32 s10, $0x1;
	s10 =	sld [smem:$0x3FB1];
	_ =	sdelay $0x3  }
0x34: {  	[smem:$0x3FB1] =	sst s10  }
0x35: {  	s10 =	sld [smem:$0x3FB0];
	_ =	sdelay $0x3  }
0x36: {  	p1 =	seq.s32 s10, $0x1;
	s10 =	sld [smem:$0x3FB1];
	_ =	sdelay $0x3  }
0x37: {  	[smem:$0x3FB1] =	sst s10  }
0x38: {  	s10 =	sld [smem:$0x3FB2]  }
0x39: {  	_ = 	snop;
	(pc) =	sbr.ind lr, $3  }
0x3a: {  	_ = 	snop  }
0x3b: {  	_ = 	snop  }
0x3c: {  	p2 =	seq.s32 s10, $0x1;
	s10 =	sld [smem:$0x3FB1]  }
0x3d: {  	_ =	shalt  }
0x3e: {  	_ =	shalt  }
0x3f: {  	_ =	shalt  }
0x40: {  	_ =	shalt  }
0x41: {  	_ =	shalt  }
0x42: {  	_ =	shalt  }
0x43: {  	_ =	shalt  }
0x44: {  	_ =	shalt  }
0x45: {  	_ =	shalt  }
0x46: {  	_ =	shalt  }
0x47: {  	_ =	shalt  }
0x48: {  	_ =	shalt  }
0x49: {  	_ =	shalt  }
0x4a: {  	_ =	shalt  }
0x4b: {  	_ =	shalt  }
0x4c: {  	_ =	shalt  }
0x4d: {  	_ =	shalt  }
0x4e: {  	_ =	shalt  }
0x4f: {  	_ =	shalt  }
0x50: {  	_ =	shalt  }
0x51: {  	_ =	shalt  }
0x52: {  	_ =	shalt  }
0x53: {  	_ =	shalt  }
0x54: {  	_ =	shalt  }
0x55: {  	_ =	shalt  }
0x56: {  	_ =	shalt  }
0x57: {  	_ =	shalt  }
0x58: {  	_ =	shalt  }
0x59: {  	_ =	shalt  }
0x5a: {  	_ =	shalt  }
0x5b: {  	_ =	shalt  }
0x5c: {  	_ =	shalt  }
0x5d: {  	_ =	shalt  }
0x5e: {  	_ =	shalt  }
0x5f: {  	_ =	shalt  }
0x60: {  	_ =	shalt  }
0x61: {  	_ =	shalt  }
0x62: {  	_ =	shalt  }
0x63: {  	_ =	shalt  }
0x64: {  	_ =	shalt  }
0x65: {  	_ =	shalt  }
0x66: {  	_ =	shalt  }
0x67: {  	_ =	shalt  }
0x68: {  	_ =	shalt  }
0x69: {  	_ =	shalt  }
0x6a: {  	_ =	shalt  }
0x6b: {  	_ =	shalt  }
0x6c: {  	_ =	shalt  }
0x6d: {  	_ =	shalt  }
0x6e: {  	_ =	shalt  }
0x6f: {  	_ =	shalt  }
0x70: {  	_ =	shalt  }
0x71: {  	_ =	shalt  }
0x72: {  	_ =	shalt  }
0x73: {  	_ =	shalt  }
0x74: {  	_ =	shalt  }
0x75: {  	_ =	shalt  }
0x76: {  	_ =	shalt  }
0x77: {  	_ =	shalt  }
0x78: {  	_ =	shalt  }
0x79: {  	_ =	shalt  }
0x7a: {  	_ =	shalt  }
0x7b: {  	_ =	shalt  }
0x7c: {  	_ =	shalt  }
0x7d: {  	_ =	shalt  }
0x7e: {  	_ =	shalt  }
0x7f: {  	_ =	shalt  }
0x80: {  	_ =	shalt  }
0x81: {  	_ =	shalt  }
0x82: {  	_ =	shalt  }
0x83: {  	_ =	shalt  }
0x84: {  	_ =	shalt  }
0x85: {  	_ =	shalt  }
0x86: {  	_ =	shalt  }
0x87: {  	_ =	shalt  }
.Lfunc_end0:
.L_simem_size_0:
called_computation_lowered:
.L_overlay_start_0:
0x88: {  	s2 =	sld [smem:$0x3FD9]  }
0x89: {  	s3 =	sld [smem:$0x3FFE];
	_ =	sdelay $0x1  }
0x8a: {  	s1 =	srdreg.scid  }
0x8b: {  	s0 =	sand.u32 $0x1, s1  }
0x8c: {  	s17 =	sshll.u32 s0, $0xA;
	s2 =	sadd.s32 s3, s2  }
0x8d: {  	s2 =	sadd.s32 s2, s17  }
0x8e: {  	[smem:$0x3FBD] =	sst s2  }
0x8f: {  	_ = 	snop  }
0x90: {  	s2 =	sld [smem:$0x3FC9];
	(tm) =	ssettm $0x1  }
0x91: {  	s18 =	sld [smem:$0x3FFB];
	_ =	sdelay $0x3  }
0x92: {  	_ =	strace s18  }
0x93: {  	s3 =	sld [smem:$0x3FFC];
	_ =	sdelay $0x3  }
0x94: {  	_ =	strace s3  }
0x95: {  	s3 =	sld [smem:$0x3FFD];
	_ =	sdelay $0x3  }
0x96: {  	_ =	strace s3  }
0x97: {  	_ =	strace $0x8FFFFFFF  }
0x98: {  	s19 =	sld [smem:$0x3FDB];
	_ =	sdelay $0x1  }
0x99: {  	s4 =	simm.s32 $_scs_section_size  }
0x9a: {  	s5 =	simm.s32 $_size__tile_overlayer_lowered;
	s6 =	simm.s32 $_tile_overlayer_lowered  }
0x9b: {  	s22 =	simm.s32 $0x1BFF;
	s21 =	sshll.u32 s6, $0x1;
	s3 =	sadd.s32 s4, s19  }
0x9c: {  	s7 =	simm.s32 $0x0;
	s20 =	sshll.u32 s5, $0x1;
	s5 =	sadd.s32 s21, s3  }
0x9d: {  	[timem:s7], [sflag:s22] =	dma.local [hbm:s5], s20  }
0x9e: {  	_ =	swait.ge [sflag:s22], s20  }
0x9f: {  	s4 =	ssub.s32 $0x0, s20;
	[sflag:s22] =	ssyncset.done $0x0  }
0xa0: {  	[sflag:s22] =	ssyncadd.s32 s4;
	_ =	sdelay $0x1  }
0xa1: {  	s23 =	simm.s32 $0x1B8B  }
0xa2: {  	_ =	swait.ge [sflag:s23], $0x1  }
0xa3: {  	[sflag:s23] =	ssyncset.done $0x0  }
0xa4: {  	s25 =	simm.s32 $0x1B8E;
	s24 =	sld [smem:$0x3FFE];
	[sflag:s23] =	ssyncadd.s32 $0xFFFFFFFF  }
0xa5: {  	s26 =	simm.s32 $execute0_lowered;
	[smem:$0x3FD2] =	sst s25  }
0xa6: {  	s5 =	sshll.u32 s26, $0x1;
	_ =	strace $0x80000046;
	[dreg:$0x1] =	wrdreg $0xFFFFFFFF  }
0xa7: {  	s28 =	simm.s32 $_size_execute0_lowered;
	s3 =	sadd.s32 s3, s5;
	[dreg:$0x0] =	wrdreg $0x0  }
0xa8: {  	s5 =	sshll.u32 s28, $0x1;
	[dreg:$0x2] =	wrdreg s3  }
0xa9: {  	[dreg:$0x3] =	wrdreg s5  }
0xaa: {  	[dreg:$0x4] =	wrdreg $0xC0  }
0xab: {  	_ =	task [dreg:s7], $0x5FFFF  }
0xac: {  	[dreg:$0x1] =	wrdreg $0xFFFFFFFF  }
0xad: {  	[dreg:$0x0] =	wrdreg $0x60  }
0xae: {  	[dreg:$0x2] =	wrdreg s2  }
0xaf: {  	[dreg:$0x3] =	wrdreg s24  }
0xb0: {  	[dreg:$0x4] =	wrdreg $0x9  }
0xb1: {  	_ =	task.clear_ibuf [dreg:s7], $0x5FFFF;
	_ =	strace $0x90000046  }
0xb2: {  	s29 =	simm.s32 $0x9;
	_ =	strace $0x80000048  }
0xb3: {  	_ =	swait.ge [sflag:s29], $0x1  }
0xb4: {  	[sflag:s29] =	ssyncadd.s32 $0xFFFFFFFF  }
0xb5: {  	_ =	strace $0x90000048  }
0xb6: {  	_ =	sfence  }
0xb7: {  	s30 =	sld [smem:$0x0];
	_ =	sdelay $0x2  }
0xb8: {  	s31 =	sshll.u32 s1, $0xD;
	s1 =	sshrl.u32 s1, $0x2  }
0xb9: {  	s3 =	sand.u32 $0x4000, s31;
	s1 =	sadd.s32 s1, s30  }
0xba: {  	s0 =	sor.u32 s3, s0;
	s1 =	sshll.u32 s1, $0x11  }
0xbb: {  	s0 =	sor.u32 s1, s0  }
0xbc: {  	s0 =	sadd.s32 $0x8F2B, s0  }
0xbd: {  	[sflag:s0] =	ssyncadd.remote.s32 $0x1  }
0xbe: {  	_ =	sfence.sel $0xFFFF  }
0xbf: {  	[dreg:$0x0] =	wrdreg $0xFFFFFFFF;
	(pc) =	sbr.abs _section_cstart, $3  }
0xc0: {  	[dreg:$0x1] =	wrdreg $0xFFFFFFFF  }
0xc1: {  	_ =	task.clear_ibuf [dreg:s7], $0x2FFFF;
	_ =	strace $0x9FFFFFFF  }
0xc2: {  	(tm) =	ssettm $0x7FFFFFFF  }
0xc3: {  	_ =	shalt  }
tec
execute0_lowered:
.L_overlay_start_1:
0x0: {  	(tag) =	ssettag $0x1  }
0x1: {  	s1 =	srdreg.scid  }
0x2: {  	s0 =	stileid.u32;
	s3 =	rddreg [dreg:$0x0]  }
0x3: {  	s6 =	rddreg [dreg:$0x1];
	s18 =	simm.s32 $0x880;
	s19 =	simm.s32 $0x1080  }
0x4: {  	s20 =	simm.s32 $0x1880;
	s22 =	simm.s32 $0x2080;
	s23 =	simm.s32 $0x2880  }
0x5: {  	s7 =	simm.s32 $0x3080;
	s24 =	simm.s32 $0x3880;
	s8 =	simm.s32 $0x4080  }
0x6: {  	s25 =	simm.s32 $0x4880;
	s26 =	simm.s32 $0x5080;
	s1 =	sand.u32 $0x1, s1  }
0x7: {  	s9 =	simm.s32 $0x80;
	s2 =	sshll.u32 s0, $0x7;
	s4 =	sshll.u32 s1, $0x6  }
0x8: {  	s11 =	simm.s32 $0x6080;
	s4 =	sor.u32 s4, s2;
	s2 =	simm.s32 $0x0  }
0x9: {  	s12 =	simm.s32 $0x6880;
	s13 =	simm.s32 $0x7080;
	[smem:$0x7FF] =	sst s2  }
0xa: {  	s14 =	simm.s32 $0x7880;
	_ =	strace $0x80000047;
	[dreg:$0x5] =	wrdreg s18  }
0xb: {  	s15 =	simm.s32 $0x8080;
	s16 =	simm.s32 $0x8880;
	[dreg:$0x6] =	wrdreg s19  }
0xc: {  	s17 =	simm.s32 $0x9080;
	s28 =	simm.s32 $0xE080;
	[dreg:$0x7] =	wrdreg s20  }
0xd: {  	s29 =	simm.s32 $0xE880;
	s30 =	simm.s32 $0xF080;
	[dreg:$0x8] =	wrdreg s22  }
0xe: {  	s31 =	simm.s32 $0xF880;
	s1 =	ssub.s32 $0x2, s1;
	[dreg:$0x9] =	wrdreg s23  }
0xf: {  	s21 =	sshrl.u32 s1, $0x1;
	s5 =	sshrl.u32 s4, $0x3;
	[dreg:$0xa] =	wrdreg s7  }
0x10: {  	s4 =	sshll.u32 s4, $0x7;
	s1 =	ssub.s32 s1, s21;
	[dreg:$0xb] =	wrdreg s24  }
0x11: {  	s21 =	simm.s32 $0xB080;
	s5 =	sadd.s32 s5, s6;
	[dreg:$0xc] =	wrdreg s8  }
0x12: {  	s3 =	sadd.s32 s3, s4;
	s4 =	sadd.s32 $0x1F00, s6;
	[dreg:$0xd] =	wrdreg s25  }
0x13: {  	s7 =	smax.u32 s1, $0x1;
	s8 =	simm.s32 $0x2;
	[dreg:$0xe] =	wrdreg s26  }
0x14: {  	s18 =	simm.s32 $0x9880;
	s19 =	simm.s32 $0xA080;
	s20 =	simm.s32 $0xA880  }
0x15: {  	s22 =	simm.s32 $0xB880;
	s23 =	simm.s32 $0xC080;
	s24 =	simm.s32 $0xC880  }
0x16: {  	v2 =	vlaneseq.u32;
	s25 =	simm.s32 $0xD080;
	s26 =	simm.s32 $0xD880;
	s1 =	simm.s32 $0x1  }
0x17: {  	vm0 =	vmmov $0xffff;
	v1 =	vshrl.u32 v2, $0x3;
	s5 =	sadd.s32 $0x1C00, s5;
	[dreg:$0x4] =	wrdreg s3;
	s3 =	sadd.s32 $0x1E00, s6  }
0x18: {  	v0 =	vand.u32 $0x7, v2;
	v2 =	vor.u32 $0x8, v2;
	v1 =	vmul.u32 $0x8, v1;
	[dreg:$0x3] =	wrdreg s5;
	s5 =	sadd.s32 $0x2000, s6;
	s6 =	sadd.s32 $0x2100, s6  }
.LBB2_1:
0x19: {  	s0 =	rddreg [dreg:$0x3]  }
0x1a: {  	[tilespmem:s2], [sflag:$0x2] =	stream.linear.gather [hbm4b:s0+s2], $0x40, $0x38;
	[tilespmem:$0x10080] =	vst v63  }
0x1b: {  	_ =	swait.ge [sflag:s8], $0x40  }
0x1c: {  	[sflag:s8] =	ssyncset.done $0x0  }
0x1d: {  	s10 =	rddreg [dreg:$0x4];
	[sflag:s8] =	ssyncadd.s32 $0xFFFFFFC0  }
0x1e: {  	[tilespmem:s9], [sflag:$0x2] =	stream.linear.gather [hbm4b:s10+s2], $0x10000, $0x38;
	[tilespmem:$0x10080] =	vst v63  }
0x1f: {  	_ =	swait.ge [sflag:s8], $0x10000  }
0x20: {  	[sflag:s8] =	ssyncset.done $0x0  }
0x21: {  	[sflag:s8] =	ssyncadd.s32 $0xFFFF0000  }
0x22: {  	v3 =	vld [tilespmem:$0x0];
	_ =	sdelay $0x4  }
0x23: {  	v4 =	vshll.u32 v3, $0x3  }
0x24: {  	v3 =	vand.u32 $0x7, v3;
	v4 =	vand.u32 $0xFFFFFFC0, v4  }
0x25: {  	v3 =	vor.u32 v3, v4  }
0x26: {  	v4 =	vperm.xlane v3, v0;
	_ =	sdelay $0x1  }
0x27: {  	v4 =	vadd.s32 v1, v4;
	_ =	sdelay $0x4  }
0x28: {  	[hbm4b:s3+s2] =	stream.indirect_vreg.scatter [tilespmem:s9], [sflag:$0x1], $0x80, v4, vm0, $0xb8;
	[tilespmem:$0x10080] =	vst v63  }
0x29: {  	s0 =	rddreg [dreg:$0x5];
	v3 =	vperm.xlane v3, v2  }
0x2a: {  	[hbm4b:s4+s2] =	stream.indirect_vreg.scatter [tilespmem:s0], [sflag:$0x1], $0x80, v4, vm0, $0xb8;
	[tilespmem:$0x10080] =	vst v63  }
0x2b: {  	s10 =	rddreg [dreg:$0x6];
	v3 =	vadd.s32 v1, v3  }
0x2c: {  	[hbm4b:s5+s2] =	stream.indirect_vreg.scatter [tilespmem:s10], [sflag:$0x1], $0x80, v4, vm0, $0xb8;
	[tilespmem:$0x10080] =	vst v63  }
0x2d: {  	s0 =	rddreg [dreg:$0x7]  }
0x2e: {  	[hbm4b:s6+s2] =	stream.indirect_vreg.scatter [tilespmem:s0], [sflag:$0x1], $0x80, v4, vm0, $0xb8;
	[tilespmem:$0x10080] =	vst v63  }
0x2f: {  	s10 =	rddreg [dreg:$0x8]  }
0x30: {  	[hbm4b:s3+s2] =	stream.indirect_vreg.scatter [tilespmem:s10], [sflag:$0x1], $0x80, v3, vm0, $0xb8;
	[tilespmem:$0x10080] =	vst v63  }
0x31: {  	s0 =	rddreg [dreg:$0x9]  }
0x32: {  	[hbm4b:s4+s2] =	stream.indirect_vreg.scatter [tilespmem:s0], [sflag:$0x1], $0x80, v3, vm0, $0xb8;
	[tilespmem:$0x10080] =	vst v63  }
0x33: {  	s10 =	rddreg [dreg:$0xa]  }
0x34: {  	[hbm4b:s5+s2] =	stream.indirect_vreg.scatter [tilespmem:s10], [sflag:$0x1], $0x80, v3, vm0, $0xb8;
	[tilespmem:$0x10080] =	vst v63  }
0x35: {  	s0 =	rddreg [dreg:$0xb]  }
0x36: {  	[hbm4b:s6+s2] =	stream.indirect_vreg.scatter [tilespmem:s0], [sflag:$0x1], $0x80, v3, vm0, $0xb8;
	[tilespmem:$0x10080] =	vst v63  }
0x37: {  	v3 =	vld [tilespmem:$0x10];
	_ =	sdelay $0x4  }
0x38: {  	v61 =	vshll.u32 v3, $0x3  }
0x39: {  	v3 =	vand.u32 $0x7, v3;
	v4 =	vand.u32 $0xFFFFFFC0, v61  }
0x3a: {  	v3 =	vor.u32 v3, v4  }
0x3b: {  	v4 =	vperm.xlane v3, v0;
	_ =	sdelay $0x1  }
0x3c: {  	v4 =	vadd.s32 v1, v4;
	_ =	sdelay $0x3  }
0x3d: {  	s0 =	rddreg [dreg:$0xc]  }
0x3e: {  	[hbm4b:s3+s2] =	stream.indirect_vreg.scatter [tilespmem:s0], [sflag:$0x1], $0x80, v4, vm0, $0xb8;
	[tilespmem:$0x10080] =	vst v63  }
0x3f: {  	s10 =	rddreg [dreg:$0xd];
	v3 =	vperm.xlane v3, v2  }
0x40: {  	[hbm4b:s4+s2] =	stream.indirect_vreg.scatter [tilespmem:s10], [sflag:$0x1], $0x80, v4, vm0, $0xb8;
	[tilespmem:$0x10080] =	vst v63  }
0x41: {  	v3 =	vadd.s32 v1, v3;
	s0 =	rddreg [dreg:$0xe]  }
0x42: {  	[hbm4b:s5+s2] =	stream.indirect_vreg.scatter [tilespmem:s0], [sflag:$0x1], $0x80, v4, vm0, $0xb8;
	[tilespmem:$0x10080] =	vst v63  }
0x43: {  	s10 =	simm.s32 $0x5880  }
0x44: {  	[hbm4b:s6+s2] =	stream.indirect_vreg.scatter [tilespmem:s10], [sflag:$0x1], $0x80, v4, vm0, $0xb8;
	[tilespmem:$0x10080] =	vst v63  }
0x45: {  	_ = 	snop  }
0x46: {  	[hbm4b:s3+s2] =	stream.indirect_vreg.scatter [tilespmem:s11], [sflag:$0x1], $0x80, v3, vm0, $0xb8;
	[tilespmem:$0x10080] =	vst v63  }
0x47: {  	_ = 	snop  }
0x48: {  	[hbm4b:s4+s2] =	stream.indirect_vreg.scatter [tilespmem:s12], [sflag:$0x1], $0x80, v3, vm0, $0xb8;
	[tilespmem:$0x10080] =	vst v63  }
0x49: {  	_ = 	snop  }
0x4a: {  	[hbm4b:s5+s2] =	stream.indirect_vreg.scatter [tilespmem:s13], [sflag:$0x1], $0x80, v3, vm0, $0xb8;
	[tilespmem:$0x10080] =	vst v63  }
0x4b: {  	_ = 	snop  }
0x4c: {  	[hbm4b:s6+s2] =	stream.indirect_vreg.scatter [tilespmem:s14], [sflag:$0x1], $0x80, v3, vm0, $0xb8;
	[tilespmem:$0x10080] =	vst v63  }
0x4d: {  	v3 =	vld [tilespmem:$0x20];
	_ =	sdelay $0x4  }
0x4e: {  	v62 =	vshll.u32 v3, $0x3  }
0x4f: {  	v3 =	vand.u32 $0x7, v3;
	v4 =	vand.u32 $0xFFFFFFC0, v62  }
0x50: {  	v3 =	vor.u32 v3, v4  }
0x51: {  	v4 =	vperm.xlane v3, v0;
	_ =	sdelay $0x1  }
0x52: {  	v4 =	vadd.s32 v1, v4;
	_ =	sdelay $0x4  }
0x53: {  	[hbm4b:s3+s2] =	stream.indirect_vreg.scatter [tilespmem:s15], [sflag:$0x1], $0x80, v4, vm0, $0xb8;
	[tilespmem:$0x10080] =	vst v63  }
0x54: {  	v3 =	vperm.xlane v3, v2  }
0x55: {  	[hbm4b:s4+s2] =	stream.indirect_vreg.scatter [tilespmem:s16], [sflag:$0x1], $0x80, v4, vm0, $0xb8;
	[tilespmem:$0x10080] =	vst v63  }
0x56: {  	v3 =	vadd.s32 v1, v3  }
0x57: {  	[hbm4b:s5+s2] =	stream.indirect_vreg.scatter [tilespmem:s17], [sflag:$0x1], $0x80, v4, vm0, $0xb8;
	[tilespmem:$0x10080] =	vst v63  }
0x58: {  	_ = 	snop  }
0x59: {  	[hbm4b:s6+s2] =	stream.indirect_vreg.scatter [tilespmem:s18], [sflag:$0x1], $0x80, v4, vm0, $0xb8;
	[tilespmem:$0x10080] =	vst v63  }
0x5a: {  	_ = 	snop  }
0x5b: {  	[hbm4b:s3+s2] =	stream.indirect_vreg.scatter [tilespmem:s19], [sflag:$0x1], $0x80, v3, vm0, $0xb8;
	[tilespmem:$0x10080] =	vst v63  }
0x5c: {  	_ = 	snop  }
0x5d: {  	[hbm4b:s4+s2] =	stream.indirect_vreg.scatter [tilespmem:s20], [sflag:$0x1], $0x80, v3, vm0, $0xb8;
	[tilespmem:$0x10080] =	vst v63  }
0x5e: {  	_ = 	snop  }
0x5f: {  	[hbm4b:s5+s2] =	stream.indirect_vreg.scatter [tilespmem:s21], [sflag:$0x1], $0x80, v3, vm0, $0xb8;
	[tilespmem:$0x10080] =	vst v63  }
0x60: {  	_ = 	snop  }
0x61: {  	[hbm4b:s6+s2] =	stream.indirect_vreg.scatter [tilespmem:s22], [sflag:$0x1], $0x80, v3, vm0, $0xb8;
	[tilespmem:$0x10080] =	vst v63  }
0x62: {  	v3 =	vld [tilespmem:$0x30];
	_ =	sdelay $0x4  }
0x63: {  	v63 =	vshll.u32 v3, $0x3  }
0x64: {  	v3 =	vand.u32 $0x7, v3;
	v4 =	vand.u32 $0xFFFFFFC0, v63  }
0x65: {  	v3 =	vor.u32 v3, v4  }
0x66: {  	v4 =	vperm.xlane v3, v0;
	_ =	sdelay $0x1  }
0x67: {  	v4 =	vadd.s32 v1, v4;
	_ =	sdelay $0x4  }
0x68: {  	[hbm4b:s3+s2] =	stream.indirect_vreg.scatter [tilespmem:s23], [sflag:$0x1], $0x80, v4, vm0, $0xb8;
	[tilespmem:$0x10080] =	vst v63  }
0x69: {  	v3 =	vperm.xlane v3, v2  }
0x6a: {  	[hbm4b:s4+s2] =	stream.indirect_vreg.scatter [tilespmem:s24], [sflag:$0x1], $0x80, v4, vm0, $0xb8;
	[tilespmem:$0x10080] =	vst v63  }
0x6b: {  	v3 =	vadd.s32 v1, v3  }
0x6c: {  	[hbm4b:s5+s2] =	stream.indirect_vreg.scatter [tilespmem:s25], [sflag:$0x1], $0x80, v4, vm0, $0xb8;
	[tilespmem:$0x10080] =	vst v63  }
0x6d: {  	_ = 	snop  }
0x6e: {  	[hbm4b:s6+s2] =	stream.indirect_vreg.scatter [tilespmem:s26], [sflag:$0x1], $0x80, v4, vm0, $0xb8;
	[tilespmem:$0x10080] =	vst v63  }
0x6f: {  	_ = 	snop  }
0x70: {  	[hbm4b:s3+s2] =	stream.indirect_vreg.scatter [tilespmem:s28], [sflag:$0x1], $0x80, v3, vm0, $0xb8;
	[tilespmem:$0x10080] =	vst v63  }
0x71: {  	_ = 	snop  }
0x72: {  	[hbm4b:s4+s2] =	stream.indirect_vreg.scatter [tilespmem:s29], [sflag:$0x1], $0x80, v3, vm0, $0xb8;
	[tilespmem:$0x10080] =	vst v63  }
0x73: {  	p0 =	sne.s32 s7, $0x1  }
0x74: {  	[hbm4b:s5+s2] =	stream.indirect_vreg.scatter [tilespmem:s30], [sflag:$0x1], $0x80, v3, vm0, $0xb8;
	[tilespmem:$0x10080] =	vst v63  }
.Ltmp0:
0x75: {  	_ = 	snop;
	(pc) =	sbr.rel @p0 .LBB2_1-.Ltmp0, $4  }
0x76: {  	[hbm4b:s6+s2] =	stream.indirect_vreg.scatter [tilespmem:s31], [sflag:$0x1], $0x80, v3, vm0, $0xb8;
	[tilespmem:$0x10080] =	vst v63  }
0x77: {  	_ =	swait.ge [sflag:s1], $0x10000  }
0x78: {  	[sflag:s1] =	ssyncset.done $0x0  }
0x79: {  	s7 =	sadd.s32 $0xFFFFFFFF, s7;
	[sflag:s1] =	ssyncadd.s32 $0xFFFF0000  }
0x7a: {  	_ =	sfence.sel $0x180000  }
0x7b: {  	[bflag:$0x0] =	sbarrier.arrive $0xFFFF  }
0x7c: {  	_ =	strace $0x90000047  }
0x7d: {  	s0 =	stileid.u32;
	[bflag:$0x2] =	sbarrier.arrive $0xFFFF  }
0x7e: {  	p0 =	sne.s32 s0, $0x0;
	s0 =	rddreg [dreg:$0x2]  }
0x7f: {  	s0 =	sadd.s32 @!p0 $0x100000, s0  }
0x80: {  	[sflag:s0] =	ssyncadd.tile.s32 @!p0 $0x1;
	_ =	shalt  }
.Lfunc_end2:
_tile_overlayer_lowered:
.L_overlay_start_2:
0x81: {  	(tag) =	ssettag $0x2  }
0x82: {  	s0 =	rddreg [dreg:$0x0];
	s2 =	stileid.u32  }
0x83: {  	s1 =	rddreg [dreg:$0x1];
	p0 =	sne.s32 s2, $0x0  }
0x84: {  	s3 =	rddreg [dreg:$0x2];
	[bflag:$0x3] =	sbarrier.arrive $0xFFFF;
	s2 =	simm.s32 @!p0 $0x1C02  }
0x85: {  	[timem:s3], [sflag:s2] =	dma.local @!p0 [hbm:s0], s1  }
0x86: {  	s0 =	simm.s32 @!p0 $0x2  }
0x87: {  	_ =	swait.ge @!p0 [sflag:s0], s1  }
0x88: {  	s1 =	ssub.s32 @!p0 $0x0, s1;
	[sflag:s0] =	ssyncset.done @!p0 $0x0  }
0x89: {  	[sflag:s0] =	ssyncadd.s32 @!p0 s1  }
0x8a: {  	[bflag:$0x3] =	sbarrier.arrive $0xFFFF  }
0x8b: {  	_ =	shalt  }

// kernel: kernel.9.cloned.1.call-start
scs
__scs_entry_jumppad:
0x0: {  	(pc) =	sbr.rel $0x88, $3  }
0x1: {  	(tag) =	ssettag $0x0;
	lr =	simm.s32 $0x1  }
0x2: {  	[smem:$0x3F96] =	sst lr;
	_ =	strace $0xD0000000  }
0x3: {  	_ = 	snop  }
0x4: {  	_ = 	snop  }
0x5: {  	_ = 	snop  }
0x6: {  	_ = 	snop  }
0x7: {  	_ = 	snop  }
__scs_overlays_trampoline_lowered:
0x8: {  	[smem:$0x3FA5] =	sst s0  }
0x9: {  	[smem:$0x3FA6] =	sst s1  }
0xa: {  	[smem:$0x3FA7] =	sst s2  }
0xb: {  	[smem:$0x3FA8] =	sst s3  }
0xc: {  	[smem:$0x3FA9] =	sst s4  }
0xd: {  	[smem:$0x3FAA] =	sst s5  }
0xe: {  	[smem:$0x3FAB] =	sst s6  }
0xf: {  	[smem:$0x3FAC] =	sst s7  }
0x10: {  	[smem:$0x3FAD] =	sst s8  }
0x11: {  	[smem:$0x3FAE] =	sst s9;
	s0 =	simm.s32 @!p0 $0x0  }
0x12: {  	s1 =	sld [smem:$0x3F94];
	s0 =	simm.s32 @p0 $0x1  }
0x13: {  	[smem:$0x3FAF] =	sst s0;
	s0 =	simm.s32 @!p1 $0x0  }
0x14: {  	s2 =	sld [smem:$0x3F93];
	s0 =	simm.s32 @p1 $0x1  }
0x15: {  	[smem:$0x3FB0] =	sst s0;
	s0 =	simm.s32 @!p2 $0x0  }
0x16: {  	s3 =	sld [smem:$0x3FDB];
	s0 =	simm.s32 @p2 $0x1  }
0x17: {  	s4 =	simm.s32 $0x1BF5;
	[smem:$0x3FB2] =	sst s0  }
0x18: {  	s0 =	sld [smem:$0x3F95];
	_ =	swait.ge [sflag:s4], $0x0  }
0x19: {  	s7 =	sld [smem:$0x3F96]  }
0x1a: {  	s8 =	sadd.s32 $0xFFFFE003, lr  }
0x1b: {  	s9 =	sadd.s32 $0xFFFFFEF7, lr;
	s5 =	simm.s32 $0xFFFFFFFF;
	p2 =	slt.u32 s8, $0xFFFFF086  }
0x1c: {  	p1 =	slt.u32 s9, $0xF7A;
	s5 =	simm.s32 @!p2 $0x0  }
0x1d: {  	s5 =	simm.s32 @p1 $0x1;
	p0 =	seq.s32 s7, s2  }
0x1e: {  	s7 =	smul.u32 @!p0 $0xF7A, s2;
	p2 =	seq.s32 @!p0 s5, $0x0  }
0x1f: {  	s9 =	smul.u32 $0xF7A, s1;
	s8 =	simm.s32 @!p0 $0x1BF5;
	p2 =	por !p2, p0  }
0x20: {  	[sflag:s8] =	ssyncset.s32 @!p0 $0xFFFFF086;
	s6 =	sadd.s32 @!p0 s3, s7;
	s7 =	simm.s32 @!p0 $0x108  }
0x21: {  	s3 =	sadd.s32 s3, s9;
	s6 =	sadd.s32 @!p0 $0x88, s6;
	s7 =	simm.s32 @p2 $0x1082  }
0x22: {  	[simem:s7], [sflag:s8] =	dma.local @!p0 [hbm:s6], $0xF7A  }
0x23: {  	s9 =	sor.u32 $0xD0000000, s2;
	s6 =	simm.s32 $0x108;
	_ =	swait.ge @!p0 [sflag:s8], $0x0  }
0x24: {  	s3 =	sadd.s32 $0x88, s3;
	s6 =	simm.s32 @!p1 $0x1082;
	[sflag:s4] =	ssyncset.s32 $0xFFFFF086  }
0x25: {  	[simem:s6], [sflag:s4] =	dma.local [hbm:s3], $0xF7A  }
0x26: {  	[smem:$0x3F96] =	sst s1;
	(tag) =	ssettag s2;
	_ =	strace s9  }
0x27: {  	s1 =	sld [smem:$0x3FA6]  }
0x28: {  	s2 =	sld [smem:$0x3FA7]  }
0x29: {  	s4 =	sld [smem:$0x3FA9]  }
0x2a: {  	p0 =	seq.s32 s5, $0x0;
	s5 =	sld [smem:$0x3FAA]  }
0x2b: {  	s6 =	sld [smem:$0x3FAB]  }
0x2c: {  	s7 =	sld [smem:$0x3FAC]  }
0x2d: {  	s3 =	simm.s32 $0x108;
	s8 =	sld [smem:$0x3FAD]  }
0x2e: {  	s3 =	simm.s32 @!p0 $0x1082;
	s9 =	sld [smem:$0x3FAE]  }
0x2f: {  	lr =	sadd.s32 s0, s3;
	s0 =	sld [smem:$0x3FA5]  }
0x30: {  	s3 =	sld [smem:$0x3FA8]  }
0x31: {  	[smem:$0x3FB1] =	sst s10  }
0x32: {  	s10 =	sld [smem:$0x3FAF];
	_ =	sdelay $0x3  }
0x33: {  	p0 =	seq.s32 s10, $0x1;
	s10 =	sld [smem:$0x3FB1];
	_ =	sdelay $0x3  }
0x34: {  	[smem:$0x3FB1] =	sst s10  }
0x35: {  	s10 =	sld [smem:$0x3FB0];
	_ =	sdelay $0x3  }
0x36: {  	p1 =	seq.s32 s10, $0x1;
	s10 =	sld [smem:$0x3FB1];
	_ =	sdelay $0x3  }
0x37: {  	[smem:$0x3FB1] =	sst s10  }
0x38: {  	s10 =	sld [smem:$0x3FB2]  }
0x39: {  	_ = 	snop;
	(pc) =	sbr.ind lr, $3  }
0x3a: {  	_ = 	snop  }
0x3b: {  	_ = 	snop  }
0x3c: {  	p2 =	seq.s32 s10, $0x1;
	s10 =	sld [smem:$0x3FB1]  }
0x3d: {  	_ =	shalt  }
0x3e: {  	_ =	shalt  }
0x3f: {  	_ =	shalt  }
0x40: {  	_ =	shalt  }
0x41: {  	_ =	shalt  }
0x42: {  	_ =	shalt  }
0x43: {  	_ =	shalt  }
0x44: {  	_ =	shalt  }
0x45: {  	_ =	shalt  }
0x46: {  	_ =	shalt  }
0x47: {  	_ =	shalt  }
0x48: {  	_ =	shalt  }
0x49: {  	_ =	shalt  }
0x4a: {  	_ =	shalt  }
0x4b: {  	_ =	shalt  }
0x4c: {  	_ =	shalt  }
0x4d: {  	_ =	shalt  }
0x4e: {  	_ =	shalt  }
0x4f: {  	_ =	shalt  }
0x50: {  	_ =	shalt  }
0x51: {  	_ =	shalt  }
0x52: {  	_ =	shalt  }
0x53: {  	_ =	shalt  }
0x54: {  	_ =	shalt  }
0x55: {  	_ =	shalt  }
0x56: {  	_ =	shalt  }
0x57: {  	_ =	shalt  }
0x58: {  	_ =	shalt  }
0x59: {  	_ =	shalt  }
0x5a: {  	_ =	shalt  }
0x5b: {  	_ =	shalt  }
0x5c: {  	_ =	shalt  }
0x5d: {  	_ =	shalt  }
0x5e: {  	_ =	shalt  }
0x5f: {  	_ =	shalt  }
0x60: {  	_ =	shalt  }
0x61: {  	_ =	shalt  }
0x62: {  	_ =	shalt  }
0x63: {  	_ =	shalt  }
0x64: {  	_ =	shalt  }
0x65: {  	_ =	shalt  }
0x66: {  	_ =	shalt  }
0x67: {  	_ =	shalt  }
0x68: {  	_ =	shalt  }
0x69: {  	_ =	shalt  }
0x6a: {  	_ =	shalt  }
0x6b: {  	_ =	shalt  }
0x6c: {  	_ =	shalt  }
0x6d: {  	_ =	shalt  }
0x6e: {  	_ =	shalt  }
0x6f: {  	_ =	shalt  }
0x70: {  	_ =	shalt  }
0x71: {  	_ =	shalt  }
0x72: {  	_ =	shalt  }
0x73: {  	_ =	shalt  }
0x74: {  	_ =	shalt  }
0x75: {  	_ =	shalt  }
0x76: {  	_ =	shalt  }
0x77: {  	_ =	shalt  }
0x78: {  	_ =	shalt  }
0x79: {  	_ =	shalt  }
0x7a: {  	_ =	shalt  }
0x7b: {  	_ =	shalt  }
0x7c: {  	_ =	shalt  }
0x7d: {  	_ =	shalt  }
0x7e: {  	_ =	shalt  }
0x7f: {  	_ =	shalt  }
0x80: {  	_ =	shalt  }
0x81: {  	_ =	shalt  }
0x82: {  	_ =	shalt  }
0x83: {  	_ =	shalt  }
0x84: {  	_ =	shalt  }
0x85: {  	_ =	shalt  }
0x86: {  	_ =	shalt  }
0x87: {  	_ =	shalt  }
.Lfunc_end0:
.L_simem_size_0:
called_computation.1_lowered:
.L_overlay_start_0:
0x88: {  	s2 =	sld [smem:$0x3FD9]  }
0x89: {  	s3 =	sld [smem:$0x3FFE];
	_ =	sdelay $0x1  }
0x8a: {  	s1 =	srdreg.scid  }
0x8b: {  	s0 =	sand.u32 $0x1, s1  }
0x8c: {  	s14 =	sshll.u32 s0, $0xA;
	s2 =	sadd.s32 s3, s2  }
0x8d: {  	s2 =	sadd.s32 s2, s14  }
0x8e: {  	[smem:$0x3FBD] =	sst s2  }
0x8f: {  	_ = 	snop  }
0x90: {  	s2 =	sld [smem:$0x3FD0];
	_ =	sdelay $0x2  }
0x91: {  	s15 =	simm.s32 $0xA;
	s4 =	simm.s32 $0x10  }
0x92: {  	[smem:s4], [sflag:s15] =	dma.local [hbm:s2], $0x1  }
0x93: {  	_ =	swait.eq [sflag:s15], $0x1  }
0x94: {  	[sflag:s15] =	ssyncset.done $0x0  }
0x95: {  	[sflag:s15] =	ssyncadd.s32 $0xFFFFFFFF  }
0x96: {  	s16 =	sld [smem:$0x10];
	(tm) =	ssettm $0x1  }
0x97: {  	s17 =	sld [smem:$0x3FFB];
	_ =	sdelay $0x3  }
0x98: {  	_ =	strace s17  }
0x99: {  	s3 =	sld [smem:$0x3FFC];
	_ =	sdelay $0x3  }
0x9a: {  	_ =	strace s3  }
0x9b: {  	s3 =	sld [smem:$0x3FFD];
	_ =	sdelay $0x3  }
0x9c: {  	_ =	strace s3  }
0x9d: {  	_ =	strace $0x8FFFFFFF  }
0x9e: {  	s18 =	sld [smem:$0x3FDB];
	_ =	sdelay $0x1  }
0x9f: {  	s19 =	simm.s32 $_scs_section_size  }
0xa0: {  	s5 =	simm.s32 $_size__tile_overlayer_lowered;
	s6 =	simm.s32 $_tile_overlayer_lowered  }
0xa1: {  	s22 =	simm.s32 $0x1BFF;
	s21 =	sshll.u32 s6, $0x1;
	s3 =	sadd.s32 s19, s18  }
0xa2: {  	s7 =	simm.s32 $0x0;
	s20 =	sshll.u32 s5, $0x1;
	s5 =	sadd.s32 s21, s3  }
0xa3: {  	[timem:s7], [sflag:s22] =	dma.local [hbm:s5], s20  }
0xa4: {  	_ =	swait.ge [sflag:s22], s20  }
0xa5: {  	s4 =	ssub.s32 $0x0, s20;
	[sflag:s22] =	ssyncset.done $0x0  }
0xa6: {  	[sflag:s22] =	ssyncadd.s32 s4;
	_ =	sdelay $0x1  }
0xa7: {  	s23 =	simm.s32 $0x1B8B  }
0xa8: {  	_ =	swait.ge [sflag:s23], $0x1  }
0xa9: {  	[sflag:s23] =	ssyncset.done $0x0  }
0xaa: {  	s25 =	simm.s32 $0x1B8E;
	s24 =	sld [smem:$0x3FFE];
	[sflag:s23] =	ssyncadd.s32 $0xFFFFFFFF  }
0xab: {  	s26 =	simm.s32 $execute0_lowered;
	[smem:$0x3FD2] =	sst s25  }
0xac: {  	s5 =	sshll.u32 s26, $0x1;
	_ =	strace $0x80000049;
	[dreg:$0x1] =	wrdreg $0xFFFFFFFF  }
0xad: {  	s28 =	simm.s32 $_size_execute0_lowered;
	s3 =	sadd.s32 s3, s5;
	[dreg:$0x0] =	wrdreg $0x0  }
0xae: {  	s5 =	sshll.u32 s28, $0x1;
	[dreg:$0x2] =	wrdreg s3  }
0xaf: {  	[dreg:$0x3] =	wrdreg s5  }
0xb0: {  	[dreg:$0x4] =	wrdreg $0xC0  }
0xb1: {  	_ =	task [dreg:s7], $0x5FFFF  }
0xb2: {  	[dreg:$0x1] =	wrdreg $0xFFFFFFFF  }
0xb3: {  	[dreg:$0x0] =	wrdreg $0x60  }
0xb4: {  	[dreg:$0x2] =	wrdreg s24  }
0xb5: {  	[dreg:$0x3] =	wrdreg s16  }
0xb6: {  	[dreg:$0x4] =	wrdreg $0x9  }
0xb7: {  	_ =	task.clear_ibuf [dreg:s7], $0x5FFFF;
	_ =	strace $0x90000049  }
0xb8: {  	s29 =	simm.s32 $0x9;
	_ =	strace $0x8000004B  }
0xb9: {  	_ =	swait.ge [sflag:s29], $0x1  }
0xba: {  	[sflag:s29] =	ssyncadd.s32 $0xFFFFFFFF  }
0xbb: {  	_ =	strace $0x9000004B  }
0xbc: {  	_ =	sfence  }
0xbd: {  	s30 =	sld [smem:$0x0];
	_ =	sdelay $0x2  }
0xbe: {  	s31 =	sshll.u32 s1, $0xD;
	s1 =	sshrl.u32 s1, $0x2  }
0xbf: {  	s3 =	sand.u32 $0x4000, s31;
	s1 =	sadd.s32 s1, s30  }
0xc0: {  	s0 =	sor.u32 s3, s0;
	s1 =	sshll.u32 s1, $0x11  }
0xc1: {  	s0 =	sor.u32 s1, s0  }
0xc2: {  	s0 =	sadd.s32 $0x8F2B, s0  }
0xc3: {  	[sflag:s0] =	ssyncadd.remote.s32 $0x1  }
0xc4: {  	_ =	sfence.sel $0xFFFF  }
0xc5: {  	[dreg:$0x0] =	wrdreg $0xFFFFFFFF;
	(pc) =	sbr.abs _section_cstart, $3  }
0xc6: {  	[dreg:$0x1] =	wrdreg $0xFFFFFFFF  }
0xc7: {  	_ =	task.clear_ibuf [dreg:s7], $0x2FFFF;
	_ =	strace $0x9FFFFFFF  }
0xc8: {  	(tm) =	ssettm $0x7FFFFFFF  }
0xc9: {  	_ =	shalt  }
tec
execute0_lowered:
.L_overlay_start_1:
0x0: {  	(tag) =	ssettag $0x1  }
0x1: {  	s1 =	srdreg.scid  }
0x2: {  	s0 =	stileid.u32;
	s6 =	rddreg [dreg:$0x0]  }
0x3: {  	s4 =	rddreg [dreg:$0x1];
	s18 =	simm.s32 $0x880;
	s19 =	simm.s32 $0x1080  }
0x4: {  	s20 =	simm.s32 $0x1880;
	s22 =	simm.s32 $0x2080;
	s23 =	simm.s32 $0x2880  }
0x5: {  	s7 =	simm.s32 $0x3080;
	s24 =	simm.s32 $0x3880;
	s8 =	simm.s32 $0x4080  }
0x6: {  	s25 =	simm.s32 $0x4880;
	s26 =	simm.s32 $0x5080;
	s1 =	sand.u32 $0x1, s1  }
0x7: {  	s9 =	simm.s32 $0x80;
	s2 =	sshll.u32 s0, $0x7;
	s3 =	sshll.u32 s1, $0x6  }
0x8: {  	s11 =	simm.s32 $0x6080;
	s3 =	sor.u32 s3, s2;
	s2 =	simm.s32 $0x0  }
0x9: {  	s12 =	simm.s32 $0x6880;
	s13 =	simm.s32 $0x7080;
	[smem:$0x7FF] =	sst s2  }
0xa: {  	s14 =	simm.s32 $0x7880;
	_ =	strace $0x8000004A;
	[dreg:$0x5] =	wrdreg s18  }
0xb: {  	s15 =	simm.s32 $0x8080;
	s16 =	simm.s32 $0x8880;
	[dreg:$0x6] =	wrdreg s19  }
0xc: {  	s17 =	simm.s32 $0x9080;
	s28 =	simm.s32 $0xE080;
	[dreg:$0x7] =	wrdreg s20  }
0xd: {  	s29 =	simm.s32 $0xE880;
	s30 =	simm.s32 $0xF080;
	[dreg:$0x8] =	wrdreg s22  }
0xe: {  	s31 =	simm.s32 $0xF880;
	s1 =	ssub.s32 $0x2, s1;
	[dreg:$0x9] =	wrdreg s23  }
0xf: {  	s21 =	sshrl.u32 s1, $0x1;
	s5 =	sshrl.u32 s3, $0x3;
	[dreg:$0xa] =	wrdreg s7  }
0x10: {  	s3 =	sshll.u32 s3, $0x7;
	s1 =	ssub.s32 s1, s21;
	[dreg:$0xb] =	wrdreg s24  }
0x11: {  	s21 =	simm.s32 $0xB080;
	s5 =	sadd.s32 s5, s6;
	[dreg:$0xc] =	wrdreg s8  }
0x12: {  	s3 =	sadd.s32 s4, s3;
	s4 =	sadd.s32 $0x1F00, s6;
	[dreg:$0xd] =	wrdreg s25  }
0x13: {  	s7 =	smax.u32 s1, $0x1;
	s8 =	simm.s32 $0x2;
	[dreg:$0xe] =	wrdreg s26  }
0x14: {  	s18 =	simm.s32 $0x9880;
	s19 =	simm.s32 $0xA080;
	s20 =	simm.s32 $0xA880  }
0x15: {  	s22 =	simm.s32 $0xB880;
	s23 =	simm.s32 $0xC080;
	s24 =	simm.s32 $0xC880  }
0x16: {  	v2 =	vlaneseq.u32;
	s25 =	simm.s32 $0xD080;
	s26 =	simm.s32 $0xD880;
	s1 =	simm.s32 $0x1  }
0x17: {  	vm0 =	vmmov $0xffff;
	v1 =	vshrl.u32 v2, $0x3;
	s5 =	sadd.s32 $0x1C00, s5;
	[dreg:$0x4] =	wrdreg s3;
	s3 =	sadd.s32 $0x1E00, s6  }
0x18: {  	v0 =	vand.u32 $0x7, v2;
	v2 =	vor.u32 $0x8, v2;
	v1 =	vmul.u32 $0x8, v1;
	[dreg:$0x3] =	wrdreg s5;
	s5 =	sadd.s32 $0x2000, s6;
	s6 =	sadd.s32 $0x2100, s6  }
.LBB2_1:
0x19: {  	s0 =	rddreg [dreg:$0x3]  }
0x1a: {  	[tilespmem:s2], [sflag:$0x2] =	stream.linear.gather [hbm4b:s0+s2], $0x40, $0x38;
	[tilespmem:$0x10080] =	vst v63  }
0x1b: {  	_ =	swait.ge [sflag:s8], $0x40  }
0x1c: {  	[sflag:s8] =	ssyncset.done $0x0  }
0x1d: {  	[sflag:s8] =	ssyncadd.s32 $0xFFFFFFC0  }
0x1e: {  	v3 =	vld [tilespmem:$0x0];
	_ =	sdelay $0x4  }
0x1f: {  	v4 =	vshll.u32 v3, $0x3  }
0x20: {  	v3 =	vand.u32 $0x7, v3;
	v4 =	vand.u32 $0xFFFFFFC0, v4  }
0x21: {  	v3 =	vor.u32 v3, v4  }
0x22: {  	v4 =	vperm.xlane v3, v0;
	_ =	sdelay $0x1  }
0x23: {  	v4 =	vadd.s32 v1, v4;
	_ =	sdelay $0x4  }
0x24: {  	[tilespmem:s9], [sflag:$0x1] =	stream.indirect_vreg.gather [hbm4b:s3+s2], $0x80, v4, vm0, $0xb8;
	[tilespmem:$0x10080] =	vst v63  }
0x25: {  	s0 =	rddreg [dreg:$0x5];
	v3 =	vperm.xlane v3, v2  }
0x26: {  	[tilespmem:s0], [sflag:$0x1] =	stream.indirect_vreg.gather [hbm4b:s4+s2], $0x80, v4, vm0, $0xb8;
	[tilespmem:$0x10080] =	vst v63  }
0x27: {  	s10 =	rddreg [dreg:$0x6];
	v3 =	vadd.s32 v1, v3  }
0x28: {  	[tilespmem:s10], [sflag:$0x1] =	stream.indirect_vreg.gather [hbm4b:s5+s2], $0x80, v4, vm0, $0xb8;
	[tilespmem:$0x10080] =	vst v63  }
0x29: {  	s0 =	rddreg [dreg:$0x7]  }
0x2a: {  	[tilespmem:s0], [sflag:$0x1] =	stream.indirect_vreg.gather [hbm4b:s6+s2], $0x80, v4, vm0, $0xb8;
	[tilespmem:$0x10080] =	vst v63  }
0x2b: {  	s10 =	rddreg [dreg:$0x8]  }
0x2c: {  	[tilespmem:s10], [sflag:$0x1] =	stream.indirect_vreg.gather [hbm4b:s3+s2], $0x80, v3, vm0, $0xb8;
	[tilespmem:$0x10080] =	vst v63  }
0x2d: {  	s0 =	rddreg [dreg:$0x9]  }
0x2e: {  	[tilespmem:s0], [sflag:$0x1] =	stream.indirect_vreg.gather [hbm4b:s4+s2], $0x80, v3, vm0, $0xb8;
	[tilespmem:$0x10080] =	vst v63  }
0x2f: {  	s10 =	rddreg [dreg:$0xa]  }
0x30: {  	[tilespmem:s10], [sflag:$0x1] =	stream.indirect_vreg.gather [hbm4b:s5+s2], $0x80, v3, vm0, $0xb8;
	[tilespmem:$0x10080] =	vst v63  }
0x31: {  	s0 =	rddreg [dreg:$0xb]  }
0x32: {  	[tilespmem:s0], [sflag:$0x1] =	stream.indirect_vreg.gather [hbm4b:s6+s2], $0x80, v3, vm0, $0xb8;
	[tilespmem:$0x10080] =	vst v63  }
0x33: {  	v3 =	vld [tilespmem:$0x10];
	_ =	sdelay $0x4  }
0x34: {  	v61 =	vshll.u32 v3, $0x3  }
0x35: {  	v3 =	vand.u32 $0x7, v3;
	v4 =	vand.u32 $0xFFFFFFC0, v61  }
0x36: {  	v3 =	vor.u32 v3, v4  }
0x37: {  	v4 =	vperm.xlane v3, v0;
	_ =	sdelay $0x1  }
0x38: {  	v4 =	vadd.s32 v1, v4;
	_ =	sdelay $0x3  }
0x39: {  	s0 =	rddreg [dreg:$0xc]  }
0x3a: {  	[tilespmem:s0], [sflag:$0x1] =	stream.indirect_vreg.gather [hbm4b:s3+s2], $0x80, v4, vm0, $0xb8;
	[tilespmem:$0x10080] =	vst v63  }
0x3b: {  	s10 =	rddreg [dreg:$0xd];
	v3 =	vperm.xlane v3, v2  }
0x3c: {  	[tilespmem:s10], [sflag:$0x1] =	stream.indirect_vreg.gather [hbm4b:s4+s2], $0x80, v4, vm0, $0xb8;
	[tilespmem:$0x10080] =	vst v63  }
0x3d: {  	v3 =	vadd.s32 v1, v3;
	s0 =	rddreg [dreg:$0xe]  }
0x3e: {  	[tilespmem:s0], [sflag:$0x1] =	stream.indirect_vreg.gather [hbm4b:s5+s2], $0x80, v4, vm0, $0xb8;
	[tilespmem:$0x10080] =	vst v63  }
0x3f: {  	s10 =	simm.s32 $0x5880  }
0x40: {  	[tilespmem:s10], [sflag:$0x1] =	stream.indirect_vreg.gather [hbm4b:s6+s2], $0x80, v4, vm0, $0xb8;
	[tilespmem:$0x10080] =	vst v63  }
0x41: {  	_ = 	snop  }
0x42: {  	[tilespmem:s11], [sflag:$0x1] =	stream.indirect_vreg.gather [hbm4b:s3+s2], $0x80, v3, vm0, $0xb8;
	[tilespmem:$0x10080] =	vst v63  }
0x43: {  	_ = 	snop  }
0x44: {  	[tilespmem:s12], [sflag:$0x1] =	stream.indirect_vreg.gather [hbm4b:s4+s2], $0x80, v3, vm0, $0xb8;
	[tilespmem:$0x10080] =	vst v63  }
0x45: {  	_ = 	snop  }
0x46: {  	[tilespmem:s13], [sflag:$0x1] =	stream.indirect_vreg.gather [hbm4b:s5+s2], $0x80, v3, vm0, $0xb8;
	[tilespmem:$0x10080] =	vst v63  }
0x47: {  	_ = 	snop  }
0x48: {  	[tilespmem:s14], [sflag:$0x1] =	stream.indirect_vreg.gather [hbm4b:s6+s2], $0x80, v3, vm0, $0xb8;
	[tilespmem:$0x10080] =	vst v63  }
0x49: {  	v3 =	vld [tilespmem:$0x20];
	_ =	sdelay $0x4  }
0x4a: {  	v62 =	vshll.u32 v3, $0x3  }
0x4b: {  	v3 =	vand.u32 $0x7, v3;
	v4 =	vand.u32 $0xFFFFFFC0, v62  }
0x4c: {  	v3 =	vor.u32 v3, v4  }
0x4d: {  	v4 =	vperm.xlane v3, v0;
	_ =	sdelay $0x1  }
0x4e: {  	v4 =	vadd.s32 v1, v4;
	_ =	sdelay $0x4  }
0x4f: {  	[tilespmem:s15], [sflag:$0x1] =	stream.indirect_vreg.gather [hbm4b:s3+s2], $0x80, v4, vm0, $0xb8;
	[tilespmem:$0x10080] =	vst v63  }
0x50: {  	v3 =	vperm.xlane v3, v2  }
0x51: {  	[tilespmem:s16], [sflag:$0x1] =	stream.indirect_vreg.gather [hbm4b:s4+s2], $0x80, v4, vm0, $0xb8;
	[tilespmem:$0x10080] =	vst v63  }
0x52: {  	v3 =	vadd.s32 v1, v3  }
0x53: {  	[tilespmem:s17], [sflag:$0x1] =	stream.indirect_vreg.gather [hbm4b:s5+s2], $0x80, v4, vm0, $0xb8;
	[tilespmem:$0x10080] =	vst v63  }
0x54: {  	_ = 	snop  }
0x55: {  	[tilespmem:s18], [sflag:$0x1] =	stream.indirect_vreg.gather [hbm4b:s6+s2], $0x80, v4, vm0, $0xb8;
	[tilespmem:$0x10080] =	vst v63  }
0x56: {  	_ = 	snop  }
0x57: {  	[tilespmem:s19], [sflag:$0x1] =	stream.indirect_vreg.gather [hbm4b:s3+s2], $0x80, v3, vm0, $0xb8;
	[tilespmem:$0x10080] =	vst v63  }
0x58: {  	_ = 	snop  }
0x59: {  	[tilespmem:s20], [sflag:$0x1] =	stream.indirect_vreg.gather [hbm4b:s4+s2], $0x80, v3, vm0, $0xb8;
	[tilespmem:$0x10080] =	vst v63  }
0x5a: {  	_ = 	snop  }
0x5b: {  	[tilespmem:s21], [sflag:$0x1] =	stream.indirect_vreg.gather [hbm4b:s5+s2], $0x80, v3, vm0, $0xb8;
	[tilespmem:$0x10080] =	vst v63  }
0x5c: {  	_ = 	snop  }
0x5d: {  	[tilespmem:s22], [sflag:$0x1] =	stream.indirect_vreg.gather [hbm4b:s6+s2], $0x80, v3, vm0, $0xb8;
	[tilespmem:$0x10080] =	vst v63  }
0x5e: {  	v3 =	vld [tilespmem:$0x30];
	_ =	sdelay $0x4  }
0x5f: {  	v63 =	vshll.u32 v3, $0x3  }
0x60: {  	v3 =	vand.u32 $0x7, v3;
	v4 =	vand.u32 $0xFFFFFFC0, v63  }
0x61: {  	v3 =	vor.u32 v3, v4  }
0x62: {  	v4 =	vperm.xlane v3, v0;
	_ =	sdelay $0x1  }
0x63: {  	v4 =	vadd.s32 v1, v4;
	_ =	sdelay $0x4  }
0x64: {  	[tilespmem:s23], [sflag:$0x1] =	stream.indirect_vreg.gather [hbm4b:s3+s2], $0x80, v4, vm0, $0xb8;
	[tilespmem:$0x10080] =	vst v63  }
0x65: {  	v3 =	vperm.xlane v3, v2  }
0x66: {  	[tilespmem:s24], [sflag:$0x1] =	stream.indirect_vreg.gather [hbm4b:s4+s2], $0x80, v4, vm0, $0xb8;
	[tilespmem:$0x10080] =	vst v63  }
0x67: {  	v3 =	vadd.s32 v1, v3  }
0x68: {  	[tilespmem:s25], [sflag:$0x1] =	stream.indirect_vreg.gather [hbm4b:s5+s2], $0x80, v4, vm0, $0xb8;
	[tilespmem:$0x10080] =	vst v63  }
0x69: {  	_ = 	snop  }
0x6a: {  	[tilespmem:s26], [sflag:$0x1] =	stream.indirect_vreg.gather [hbm4b:s6+s2], $0x80, v4, vm0, $0xb8;
	[tilespmem:$0x10080] =	vst v63  }
0x6b: {  	_ = 	snop  }
0x6c: {  	[tilespmem:s28], [sflag:$0x1] =	stream.indirect_vreg.gather [hbm4b:s3+s2], $0x80, v3, vm0, $0xb8;
	[tilespmem:$0x10080] =	vst v63  }
0x6d: {  	_ = 	snop  }
0x6e: {  	[tilespmem:s29], [sflag:$0x1] =	stream.indirect_vreg.gather [hbm4b:s4+s2], $0x80, v3, vm0, $0xb8;
	[tilespmem:$0x10080] =	vst v63  }
0x6f: {  	_ = 	snop  }
0x70: {  	[tilespmem:s30], [sflag:$0x1] =	stream.indirect_vreg.gather [hbm4b:s5+s2], $0x80, v3, vm0, $0xb8;
	[tilespmem:$0x10080] =	vst v63  }
0x71: {  	_ = 	snop  }
0x72: {  	[tilespmem:s31], [sflag:$0x1] =	stream.indirect_vreg.gather [hbm4b:s6+s2], $0x80, v3, vm0, $0xb8;
	[tilespmem:$0x10080] =	vst v63  }
0x73: {  	_ =	swait.ge [sflag:s1], $0x10000  }
0x74: {  	p0 =	sne.s32 s7, $0x1;
	[sflag:s1] =	ssyncset.done $0x0  }
.Ltmp0:
0x75: {  	s10 =	rddreg [dreg:$0x4];
	[sflag:s1] =	ssyncadd.s32 $0xFFFF0000;
	(pc) =	sbr.rel @p0 .LBB2_1-.Ltmp0, $4  }
0x76: {  	[hbm4b:s10+s2] =	stream.linear.scatter [tilespmem:s9], [sflag:$0x2], $0x10000, $0x38;
	[tilespmem:$0x10080] =	vst v63  }
0x77: {  	_ =	swait.ge [sflag:s8], $0x10000  }
0x78: {  	[sflag:s8] =	ssyncset.done $0x0  }
0x79: {  	s7 =	sadd.s32 $0xFFFFFFFF, s7;
	[sflag:s8] =	ssyncadd.s32 $0xFFFF0000  }
0x7a: {  	_ =	sfence.sel $0x180000  }
0x7b: {  	[bflag:$0x0] =	sbarrier.arrive $0xFFFF  }
0x7c: {  	_ =	strace $0x9000004A  }
0x7d: {  	s0 =	stileid.u32;
	[bflag:$0x2] =	sbarrier.arrive $0xFFFF  }
0x7e: {  	p0 =	sne.s32 s0, $0x0;
	s0 =	rddreg [dreg:$0x2]  }
0x7f: {  	s0 =	sadd.s32 @!p0 $0x100000, s0  }
0x80: {  	[sflag:s0] =	ssyncadd.tile.s32 @!p0 $0x1;
	_ =	shalt  }
.Lfunc_end2:
_tile_overlayer_lowered:
.L_overlay_start_2:
0x81: {  	(tag) =	ssettag $0x2  }
0x82: {  	s0 =	rddreg [dreg:$0x0];
	s2 =	stileid.u32  }
0x83: {  	s1 =	rddreg [dreg:$0x1];
	p0 =	sne.s32 s2, $0x0  }
0x84: {  	s3 =	rddreg [dreg:$0x2];
	[bflag:$0x3] =	sbarrier.arrive $0xFFFF;
	s2 =	simm.s32 @!p0 $0x1C02  }
0x85: {  	[timem:s3], [sflag:s2] =	dma.local @!p0 [hbm:s0], s1  }
0x86: {  	s0 =	simm.s32 @!p0 $0x2  }
0x87: {  	_ =	swait.ge @!p0 [sflag:s0], s1  }
0x88: {  	s1 =	ssub.s32 @!p0 $0x0, s1;
	[sflag:s0] =	ssyncset.done @!p0 $0x0  }
0x89: {  	[sflag:s0] =	ssyncadd.s32 @!p0 s1  }
0x8a: {  	[bflag:$0x3] =	sbarrier.arrive $0xFFFF  }
0x8b: {  	_ =	shalt  }

</sc_bundles>
